<compile_context>
chip_gen: v7x
topology: tpu7x:2x2x1
jax: 0.10.2.dev20260603
libtpu: 0.0.44.dev20260713+nightly
codegen_flags: <defaults>
</compile_context>

<pallas_src>
import jax
import jax.numpy as jnp
from jax import lax
from jax.experimental import pallas as pl
from jax.experimental.pallas import tpu as pltpu
from jax.experimental.pallas import tpu_sc as plsc

NC, NS = 2, 16
NW = NC * NS
CH = 80
DCH = 80
NBUF = 3
ZR = 80
NSPLIT = 1
DH = 128 // NSPLIT

_MESH = dict(core_axis_name="c", subcore_axis_name="s")


def _deg_body(dst_hbm, out_hbm, dst_v, ones_v, zbuf_v, deg_sh, dsem):
    c = lax.axis_index("c")
    s = lax.axis_index("s")
    wid = s * NC + c
    n = deg_sh.shape[0]
    pltpu.sync_copy(dst_hbm.at[wid], dst_v)

    def fill_ones(i, _):
        ones_v[pl.ds(i * 16, 16)] = jnp.ones((16,), jnp.float32)
        return 0

    lax.fori_loop(0, DCH // 16, fill_ones, 0)

    def fill_zeros(i, _):
        zbuf_v[pl.ds(i * 16, 16)] = jnp.zeros((16,), jnp.float32)
        return 0

    lax.fori_loop(0, n // 16, fill_zeros, 0)

    @pl.when(s == 0)
    def _():
        pltpu.sync_copy(zbuf_v, deg_sh)

    plsc.subcore_barrier()

    nchunks = dst_v.shape[0]
    K = 25

    def body(g, _):
        for u in range(K):
            pltpu.async_copy(ones_v, deg_sh.at[dst_v.at[g * K + u]],
                             dsem, add=True)
        for u in range(K):
            pltpu.make_async_copy(
                ones_v, deg_sh.at[dst_v.at[g * K + u]], dsem).wait()
        return 0

    lax.fori_loop(0, nchunks // K, body, 0)
    for j in range((nchunks // K) * K, nchunks):
        pltpu.sync_copy(ones_v, deg_sh.at[dst_v.at[j]], add=True)
    plsc.subcore_barrier()

    @pl.when(s == 0)
    def _():
        pltpu.sync_copy(deg_sh, zbuf_v)
        pltpu.sync_copy(zbuf_v, out_hbm.at[pl.ds(c * n, n)])


def _agg_body(src_hbm, dst_hbm, *refs):
    h2_hbms = refs[:NSPLIT]
    out_hbm = refs[NSPLIT]
    src_v = refs[NSPLIT + 1]
    dst_v = refs[NSPLIT + 2]
    rows = refs[NSPLIT + 3:NSPLIT + 3 + NBUF]
    acc_sh = refs[NSPLIT + 3 + NBUF]
    sems = refs[NSPLIT + 4 + NBUF:NSPLIT + 4 + 2 * NBUF]
    c = lax.axis_index("c")
    s = lax.axis_index("s")
    wid = s * NC + c
    n, d = acc_sh.shape
    pltpu.sync_copy(src_hbm.at[wid], src_v)
    pltpu.sync_copy(dst_hbm.at[wid], dst_v)

    nz = n // ZR
    nk = (nz + NS - 1) // NS
    nchunks = src_v.shape[0]

    for f, h2f_hbm in enumerate(h2_hbms):
        for m in range(min(NBUF - 1, nchunks)):
            pltpu.async_copy(h2f_hbm.at[src_v.at[m]], rows[m], sems[m])

        def fill_zeros(i, _):
            for g in range(d // 16):
                rows[NBUF - 1][i, pl.ds(g * 16, 16)] = jnp.zeros(
                    (16,), jnp.float32)
            return 0

        lax.fori_loop(0, ZR, fill_zeros, 0)

        def zero_acc(k, _):
            j = s + k * NS

            @pl.when(j < nz)
            def _():
                pltpu.sync_copy(rows[NBUF - 1],
                                acc_sh.at[pl.ds(j * ZR, ZR)])

            return 0

        lax.fori_loop(0, nk, zero_acc, 0)
        plsc.subcore_barrier()

        nmain = nchunks // NBUF

        def body(k, _):
            m0 = k * NBUF
            for b in range(NBUF):
                m = m0 + b
                mp = m + NBUF - 1
                bp = (b + NBUF - 1) % NBUF

                @pl.when(mp < nchunks)
                def _():
                    pltpu.async_copy(h2f_hbm.at[src_v.at[mp]],
                                     rows[bp], sems[bp])

                pltpu.make_async_copy(
                    h2f_hbm.at[src_v.at[m]], rows[b], sems[b]).wait()
                pltpu.sync_copy(rows[b], acc_sh.at[dst_v.at[m]], add=True)
            return 0

        lax.fori_loop(0, nmain, body, 0)
        for m in range(nmain * NBUF, nchunks):
            b = m % NBUF
            pltpu.make_async_copy(
                h2f_hbm.at[src_v.at[m]], rows[b], sems[b]).wait()
            pltpu.sync_copy(rows[b], acc_sh.at[dst_v.at[m]], add=True)
        plsc.subcore_barrier()

        def write_out(k, _):
            j = s + k * NS

            @pl.when(j < nz)
            def _():
                pltpu.sync_copy(acc_sh.at[pl.ds(j * ZR, ZR)],
                                out_hbm.at[c, f, pl.ds(j * ZR, ZR)])

            return 0

        lax.fori_loop(0, nk, write_out, 0)
        plsc.subcore_barrier()


def _tc1_body(x_ref, w_ref, degt_ref, *h2_refs):
    deg = degt_ref[:, 0:1] + degt_ref[:, 1:2] + 1.0
    dinv = lax.rsqrt(deg)
    h = jnp.dot(x_ref[...], w_ref[...], preferred_element_type=jnp.float32)
    h2 = h * dinv
    for f, h2f_ref in enumerate(h2_refs):
        h2f_ref[...] = h2[:, f * DH:(f + 1) * DH]


def _tc2_body(acc_ref, *refs):
    h2_refs = refs[:NSPLIT]
    degt_ref, b_ref, out_ref = refs[NSPLIT:]
    deg = degt_ref[:, 0:1] + degt_ref[:, 1:2] + 1.0
    dinv = lax.rsqrt(deg)
    for f, h2f_ref in enumerate(h2_refs):
        total = acc_ref[0, f] + acc_ref[1, f] + h2f_ref[...]
        out_ref[:, f * DH:(f + 1) * DH] = (
            dinv * total + b_ref[:, f * DH:(f + 1) * DH])


def kernel(x, edge_index, W, b):
    n, d_in = x.shape
    d_out = W.shape[1]
    e = edge_index.shape[1]
    epw = e // NW
    nchunks = epw // CH
    src = edge_index[0].reshape(NW, nchunks, CH)
    dst = edge_index[1].reshape(NW, nchunks, CH)
    dst_deg = edge_index[1].reshape(NW, epw // DCH, DCH)

    mesh = plsc.VectorSubcoreMesh(**_MESH)

    deg_k = pl.kernel(
        _deg_body,
        out_type=jax.ShapeDtypeStruct((NC * n,), jnp.float32),
        mesh=mesh,
        scratch_types=[
            pltpu.VMEM((epw // DCH, DCH), jnp.int32),
            pltpu.VMEM((DCH,), jnp.float32),
            pltpu.VMEM((n,), jnp.float32),
            pltpu.VMEM_SHARED((n,), jnp.float32),
            pltpu.SemaphoreType.DMA,
        ],
    )
    degp = deg_k(dst_deg).reshape(NC, n)
    degp_t = degp.T

    BM = 1000
    grid = (n // BM,)

    h2s = pl.pallas_call(
        _tc1_body,
        grid=grid,
        in_specs=[
            pl.BlockSpec((BM, d_in), lambda i: (i, 0)),
            pl.BlockSpec((d_in, d_out), lambda i: (0, 0)),
            pl.BlockSpec((BM, NC), lambda i: (i, 0)),
        ],
        out_specs=[pl.BlockSpec((BM, DH), lambda i: (i, 0))] * NSPLIT,
        out_shape=[jax.ShapeDtypeStruct((n, DH), jnp.float32)] * NSPLIT,
    )(x, W, degp_t)

    agg_k = pl.kernel(
        _agg_body,
        out_type=jax.ShapeDtypeStruct((NC, NSPLIT, n, DH), jnp.float32),
        mesh=mesh,
        scratch_types=[
            pltpu.VMEM((nchunks, CH), jnp.int32),
            pltpu.VMEM((nchunks, CH), jnp.int32),
            *[pltpu.VMEM((CH, DH), jnp.float32) for _ in range(NBUF)],
            pltpu.VMEM_SHARED((n, DH), jnp.float32),
            *[pltpu.SemaphoreType.DMA for _ in range(NBUF)],
        ],
        compiler_params=pltpu.CompilerParams(use_tc_tiling_on_sc=False),
    )
    acc = agg_k(src, dst, *h2s)

    out = pl.pallas_call(
        _tc2_body,
        grid=grid,
        in_specs=(
            [pl.BlockSpec((NC, NSPLIT, BM, DH), lambda i: (0, 0, i, 0))]
            + [pl.BlockSpec((BM, DH), lambda i: (i, 0))] * NSPLIT
            + [pl.BlockSpec((BM, NC), lambda i: (i, 0)),
               pl.BlockSpec((1, d_out), lambda i: (0, 0))]
        ),
        out_specs=pl.BlockSpec((BM, d_out), lambda i: (i, 0)),
        out_shape=jax.ShapeDtypeStruct((n, d_out), jnp.float32),
    )(acc, *h2s, degp_t, b.reshape(1, d_out))
    return out

# --- scband reference (transcript-rebuilt; emitter-appended) ---
"""Pipeline reference for scband-cascade-gnnlayer-76450417868971 (READ-ONLY COPY).

The authoritative reference and input builder live on the scoring server;
editing this copy changes nothing except your own understanding.
"""

import jax, jax.numpy as jnp
import numpy as np

N, E, D_IN, D_OUT = 10000, 320000, 128, 128

def setup_inputs(seed: int = 0) -> dict:
    key = jax.random.key(seed)
    k1, k2, k3 = jax.random.split(key, 3)
    x = jax.random.normal(k1, (N, D_IN), dtype=jnp.float32)
    edge_index = jax.random.randint(k2, (2, E), 0, N, dtype=jnp.int32)
    W = jax.random.normal(k3, (D_IN, D_OUT), dtype=jnp.float32) * (1.0 / np.sqrt(D_IN))
    b = jnp.zeros((D_OUT,), dtype=jnp.float32)
    return {"x": x, "edge_index": edge_index, "W": W, "b": b}

def reference(x, edge_index, W, b):
    # GCNConv (PyG semantics): linear transform, add self-loops,
    # symmetric degree normalization, scatter-add aggregation, bias.
    n = x.shape[0]
    loop = jnp.arange(n, dtype=edge_index.dtype)
    src = jnp.concatenate([edge_index[0], loop])
    dst = jnp.concatenate([edge_index[1], loop])
    h = x @ W
    ones = jnp.ones(src.shape[0], dtype=x.dtype)
    deg = jnp.zeros((n,), dtype=x.dtype).at[dst].add(ones)
    deg_inv_sqrt = jnp.where(deg > 0, jax.lax.rsqrt(jnp.maximum(deg, 1e-12)), 0.0)
    norm = deg_inv_sqrt[src] * deg_inv_sqrt[dst]
    msgs = h[src] * norm[:, None]
    out = jnp.zeros((n, h.shape[1]), dtype=x.dtype).at[dst].add(msgs)
    return out + b

if __name__ == "__main__":
    import jax
    _d = setup_inputs()
    print(jax.jit(kernel)(*tuple(_d.values())))

</pallas_src>

<mosaic_0001>
#map = affine_map<(d0, d1) -> (0, 0, 0)>
#map1 = affine_map<(d0, d1) -> (0, 0)>
#map2 = affine_map<(d0, d1) -> (0, 0, 0, 0)>
module attributes {stable_mosaic.version = 14 : i64} {
  func.func @_agg_body(%arg0: i32, %arg1: i32, %arg2: memref<32x125x80xi32, #tpu.memory_space<hbm>>, %arg3: memref<32x125x80xi32, #tpu.memory_space<hbm>>, %arg4: memref<10000x128xf32, #tpu.memory_space<hbm>>, %arg5: memref<2x1x10000x128xf32, #tpu.memory_space<hbm>>, %arg6: memref<125x80xi32, #tpu.memory_space<vmem>>, %arg7: memref<125x80xi32, #tpu.memory_space<vmem>>, %arg8: memref<80x128xf32, #tpu.memory_space<vmem>>, %arg9: memref<80x128xf32, #tpu.memory_space<vmem>>, %arg10: memref<80x128xf32, #tpu.memory_space<vmem>>, %arg11: memref<10000x128xf32, #tpu.memory_space<vmem_shared>>, %arg12: memref<!tpu.dma_semaphore, #tpu.memory_space<semaphore_mem>>, %arg13: memref<!tpu.dma_semaphore, #tpu.memory_space<semaphore_mem>>, %arg14: memref<!tpu.dma_semaphore, #tpu.memory_space<semaphore_mem>>) attributes {dimension_semantics = [#tpu.dimension_semantics<core_parallel>, #tpu.dimension_semantics<subcore_parallel>], iteration_bounds = array<i64: 2, 16>, scalar_prefetch = 0 : i64, scratch_operands = 9 : i64, tpu.core_type = #tpu.core_type<sc_vector_subcore>, window_params = [{transform_indices = #map}, {transform_indices = #map}, {transform_indices = #map1}, {transform_indices = #map2}]} {
    %mul3A = arith.constant 2 : i32
    %mul3A_0 = arith.muli %arg1, %mul3A : i32
    %add3A = arith.addi %mul3A_0, %arg0 : i32
    "tpu.region"() ({
      %run_scoped3A_57 = tpu.sem_alloc : memref<!tpu.dma_semaphore, #tpu.memory_space<semaphore_mem>>
      %dma_start3A_58 = arith.constant 0 : i32
      %dma_start3A_59 = arith.constant 0 : i32
      %dma_start3A_60 = tpu.memref_slice %arg2[%add3A, %dma_start3A_58, %dma_start3A_59] : memref<32x125x80xi32, #tpu.memory_space<hbm>> -> memref<1x125x80xi32, #tpu.memory_space<hbm>>
      %dma_start3A_61 = tpu.memref_squeeze %dma_start3A_60 : memref<1x125x80xi32, #tpu.memory_space<hbm>> -> memref<125x80xi32, #tpu.memory_space<hbm>>
      %dma_start3A_62 = arith.constant 0 : i32
      %dma_start3A_63 = arith.constant 0 : i32
      %dma_start3A_64 = tpu.memref_slice %arg2[%add3A, %dma_start3A_62, %dma_start3A_63] : memref<32x125x80xi32, #tpu.memory_space<hbm>> -> memref<1x125x80xi32, #tpu.memory_space<hbm>>
      %dma_start3A_65 = tpu.memref_squeeze %dma_start3A_64 : memref<1x125x80xi32, #tpu.memory_space<hbm>> -> memref<125x80xi32, #tpu.memory_space<hbm>>
      tpu.enqueue_dma source(%dma_start3A_65 : memref<125x80xi32, #tpu.memory_space<hbm>>) target(%arg6 : memref<125x80xi32, #tpu.memory_space<vmem>>) target_semaphore(%run_scoped3A_57 : memref<!tpu.dma_semaphore, #tpu.memory_space<semaphore_mem>>)
      %dma_wait3A_66 = arith.constant 0 : i32
      %dma_wait3A_67 = arith.constant 0 : i32
      %dma_wait3A_68 = tpu.memref_slice %arg2[%add3A, %dma_wait3A_66, %dma_wait3A_67] : memref<32x125x80xi32, #tpu.memory_space<hbm>> -> memref<1x125x80xi32, #tpu.memory_space<hbm>>
      %dma_wait3A_69 = tpu.memref_squeeze %dma_wait3A_68 : memref<1x125x80xi32, #tpu.memory_space<hbm>> -> memref<125x80xi32, #tpu.memory_space<hbm>>
      %dma_wait3A_70 = arith.constant 0 : i32
      %dma_wait3A_71 = arith.constant 0 : i32
      %dma_wait3A_72 = tpu.memref_slice %arg2[%add3A, %dma_wait3A_70, %dma_wait3A_71] : memref<32x125x80xi32, #tpu.memory_space<hbm>> -> memref<1x125x80xi32, #tpu.memory_space<hbm>>
      %dma_wait3A_73 = tpu.memref_squeeze %dma_wait3A_72 : memref<1x125x80xi32, #tpu.memory_space<hbm>> -> memref<125x80xi32, #tpu.memory_space<hbm>>
      tpu.wait_dma2 semaphore(%run_scoped3A_57 : memref<!tpu.dma_semaphore, #tpu.memory_space<semaphore_mem>>) src(%dma_wait3A_73 : memref<125x80xi32, #tpu.memory_space<hbm>>) dst(%arg6 : memref<125x80xi32, #tpu.memory_space<vmem>>)
      tpu.yield
    }) : () -> ()
    "tpu.region"() ({
      %run_scoped3A_57 = tpu.sem_alloc : memref<!tpu.dma_semaphore, #tpu.memory_space<semaphore_mem>>
      %dma_start3A_58 = arith.constant 0 : i32
      %dma_start3A_59 = arith.constant 0 : i32
      %dma_start3A_60 = tpu.memref_slice %arg3[%add3A, %dma_start3A_58, %dma_start3A_59] : memref<32x125x80xi32, #tpu.memory_space<hbm>> -> memref<1x125x80xi32, #tpu.memory_space<hbm>>
      %dma_start3A_61 = tpu.memref_squeeze %dma_start3A_60 : memref<1x125x80xi32, #tpu.memory_space<hbm>> -> memref<125x80xi32, #tpu.memory_space<hbm>>
      %dma_start3A_62 = arith.constant 0 : i32
      %dma_start3A_63 = arith.constant 0 : i32
      %dma_start3A_64 = tpu.memref_slice %arg3[%add3A, %dma_start3A_62, %dma_start3A_63] : memref<32x125x80xi32, #tpu.memory_space<hbm>> -> memref<1x125x80xi32, #tpu.memory_space<hbm>>
      %dma_start3A_65 = tpu.memref_squeeze %dma_start3A_64 : memref<1x125x80xi32, #tpu.memory_space<hbm>> -> memref<125x80xi32, #tpu.memory_space<hbm>>
      tpu.enqueue_dma source(%dma_start3A_65 : memref<125x80xi32, #tpu.memory_space<hbm>>) target(%arg7 : memref<125x80xi32, #tpu.memory_space<vmem>>) target_semaphore(%run_scoped3A_57 : memref<!tpu.dma_semaphore, #tpu.memory_space<semaphore_mem>>)
      %dma_wait3A_66 = arith.constant 0 : i32
      %dma_wait3A_67 = arith.constant 0 : i32
      %dma_wait3A_68 = tpu.memref_slice %arg3[%add3A, %dma_wait3A_66, %dma_wait3A_67] : memref<32x125x80xi32, #tpu.memory_space<hbm>> -> memref<1x125x80xi32, #tpu.memory_space<hbm>>
      %dma_wait3A_69 = tpu.memref_squeeze %dma_wait3A_68 : memref<1x125x80xi32, #tpu.memory_space<hbm>> -> memref<125x80xi32, #tpu.memory_space<hbm>>
      %dma_wait3A_70 = arith.constant 0 : i32
      %dma_wait3A_71 = arith.constant 0 : i32
      %dma_wait3A_72 = tpu.memref_slice %arg3[%add3A, %dma_wait3A_70, %dma_wait3A_71] : memref<32x125x80xi32, #tpu.memory_space<hbm>> -> memref<1x125x80xi32, #tpu.memory_space<hbm>>
      %dma_wait3A_73 = tpu.memref_squeeze %dma_wait3A_72 : memref<1x125x80xi32, #tpu.memory_space<hbm>> -> memref<125x80xi32, #tpu.memory_space<hbm>>
      tpu.wait_dma2 semaphore(%run_scoped3A_57 : memref<!tpu.dma_semaphore, #tpu.memory_space<semaphore_mem>>) src(%dma_wait3A_73 : memref<125x80xi32, #tpu.memory_space<hbm>>) dst(%arg7 : memref<125x80xi32, #tpu.memory_space<vmem>>)
      tpu.yield
    }) : () -> ()
    %dma_start3A = arith.constant 0 : i32
    %dma_start3A_1 = arith.constant 0 : i32
    %dma_start3A_2 = tpu.memref_slice %arg6[%dma_start3A, %dma_start3A_1] : memref<125x80xi32, #tpu.memory_space<vmem>> -> memref<1x80xi32, #tpu.memory_space<vmem>>
    %dma_start3A_3 = tpu.memref_squeeze %dma_start3A_2 : memref<1x80xi32, #tpu.memory_space<vmem>> -> memref<80xi32, #tpu.memory_space<vmem>>
    %dma_start3A_4 = arith.constant 0 : i32
    %dma_start3A_5 = arith.constant 0 : i32
    %dma_start3A_6 = tpu.memref_slice %arg4[%dma_start3A_4, %dma_start3A_5] : memref<10000x128xf32, #tpu.memory_space<hbm>> -> memref<10000x128xf32, #tpu.memory_space<hbm>>
    tpu.enqueue_indirect_dma source(%dma_start3A_6 : memref<10000x128xf32, #tpu.memory_space<hbm>>) target(%arg8 : memref<80x128xf32, #tpu.memory_space<vmem>>) offsets(%dma_start3A_3 : memref<80xi32, #tpu.memory_space<vmem>>) semaphore(%arg12 : memref<!tpu.dma_semaphore, #tpu.memory_space<semaphore_mem>>)
    %dma_start3A_7 = arith.constant 1 : i32
    %dma_start3A_8 = arith.constant 0 : i32
    %dma_start3A_9 = tpu.memref_slice %arg6[%dma_start3A_7, %dma_start3A_8] : memref<125x80xi32, #tpu.memory_space<vmem>> -> memref<1x80xi32, #tpu.memory_space<vmem>>
    %dma_start3A_10 = tpu.memref_squeeze %dma_start3A_9 : memref<1x80xi32, #tpu.memory_space<vmem>> -> memref<80xi32, #tpu.memory_space<vmem>>
    %dma_start3A_11 = arith.constant 0 : i32
    %dma_start3A_12 = arith.constant 0 : i32
    %dma_start3A_13 = tpu.memref_slice %arg4[%dma_start3A_11, %dma_start3A_12] : memref<10000x128xf32, #tpu.memory_space<hbm>> -> memref<10000x128xf32, #tpu.memory_space<hbm>>
    tpu.enqueue_indirect_dma source(%dma_start3A_13 : memref<10000x128xf32, #tpu.memory_space<hbm>>) target(%arg9 : memref<80x128xf32, #tpu.memory_space<vmem>>) offsets(%dma_start3A_10 : memref<80xi32, #tpu.memory_space<vmem>>) semaphore(%arg13 : memref<!tpu.dma_semaphore, #tpu.memory_space<semaphore_mem>>)
    %scan3A = arith.constant 0 : i32
    %scan3A_14 = arith.constant 0 : i32
    %scan3A_15 = arith.constant 80 : i32
    %scan3A_16 = arith.addi %scan3A_14, %scan3A_15 : i32
    %scan3A_17 = arith.constant 1 : i32
    %scan3A_18 = scf.for %scan3A_57 = %scan3A_14 to %scan3A_16 step %scan3A_17 iter_args(%scan3A_58 = %scan3A) -> (i32)  : i32 {
      %broadcast_in_dim3A = arith.constant 0.000000e+00 : f32
      %broadcast_in_dim3A_59 = vector.broadcast %broadcast_in_dim3A : f32 to vector<16xf32>
      %swap3A = arith.index_cast %scan3A_57 : i32 to index
      %swap3A_60 = arith.constant 0 : index
      %swap3A_61 = tpu.vector_load %arg10[%swap3A, %swap3A_60] {strides = array<i32>} : memref<80x128xf32, #tpu.memory_space<vmem>>, vector<1x16xf32>,
      %swap3A_62 = vector.shape_cast %swap3A_61 : vector<1x16xf32> to vector<16xf32>
      %swap3A_63 = vector.shape_cast %broadcast_in_dim3A_59 : vector<16xf32> to vector<1x16xf32>
      tpu.vector_store %arg10[%swap3A, %swap3A_60], %swap3A_63 {strides = array<i32>} : memref<80x128xf32, #tpu.memory_space<vmem>>, vector<1x16xf32>,
      %broadcast_in_dim3A_64 = arith.constant 0.000000e+00 : f32
      %broadcast_in_dim3A_65 = vector.broadcast %broadcast_in_dim3A_64 : f32 to vector<16xf32>
      %swap3A_66 = arith.index_cast %scan3A_57 : i32 to index
      %swap3A_67 = arith.constant 16 : index
      %swap3A_68 = tpu.vector_load %arg10[%swap3A_66, %swap3A_67] {strides = array<i32>} : memref<80x128xf32, #tpu.memory_space<vmem>>, vector<1x16xf32>,
      %swap3A_69 = vector.shape_cast %swap3A_68 : vector<1x16xf32> to vector<16xf32>
      %swap3A_70 = vector.shape_cast %broadcast_in_dim3A_65 : vector<16xf32> to vector<1x16xf32>
      tpu.vector_store %arg10[%swap3A_66, %swap3A_67], %swap3A_70 {strides = array<i32>} : memref<80x128xf32, #tpu.memory_space<vmem>>, vector<1x16xf32>,
      %broadcast_in_dim3A_71 = arith.constant 0.000000e+00 : f32
      %broadcast_in_dim3A_72 = vector.broadcast %broadcast_in_dim3A_71 : f32 to vector<16xf32>
      %swap3A_73 = arith.index_cast %scan3A_57 : i32 to index
      %swap3A_74 = arith.constant 32 : index
      %swap3A_75 = tpu.vector_load %arg10[%swap3A_73, %swap3A_74] {strides = array<i32>} : memref<80x128xf32, #tpu.memory_space<vmem>>, vector<1x16xf32>,
      %swap3A_76 = vector.shape_cast %swap3A_75 : vector<1x16xf32> to vector<16xf32>
      %swap3A_77 = vector.shape_cast %broadcast_in_dim3A_72 : vector<16xf32> to vector<1x16xf32>
      tpu.vector_store %arg10[%swap3A_73, %swap3A_74], %swap3A_77 {strides = array<i32>} : memref<80x128xf32, #tpu.memory_space<vmem>>, vector<1x16xf32>,
      %broadcast_in_dim3A_78 = arith.constant 0.000000e+00 : f32
      %broadcast_in_dim3A_79 = vector.broadcast %broadcast_in_dim3A_78 : f32 to vector<16xf32>
      %swap3A_80 = arith.index_cast %scan3A_57 : i32 to index
      %swap3A_81 = arith.constant 48 : index
      %swap3A_82 = tpu.vector_load %arg10[%swap3A_80, %swap3A_81] {strides = array<i32>} : memref<80x128xf32, #tpu.memory_space<vmem>>, vector<1x16xf32>,
      %swap3A_83 = vector.shape_cast %swap3A_82 : vector<1x16xf32> to vector<16xf32>
      %swap3A_84 = vector.shape_cast %broadcast_in_dim3A_79 : vector<16xf32> to vector<1x16xf32>
      tpu.vector_store %arg10[%swap3A_80, %swap3A_81], %swap3A_84 {strides = array<i32>} : memref<80x128xf32, #tpu.memory_space<vmem>>, vector<1x16xf32>,
      %broadcast_in_dim3A_85 = arith.constant 0.000000e+00 : f32
      %broadcast_in_dim3A_86 = vector.broadcast %broadcast_in_dim3A_85 : f32 to vector<16xf32>
      %swap3A_87 = arith.index_cast %scan3A_57 : i32 to index
      %swap3A_88 = arith.constant 64 : index
      %swap3A_89 = tpu.vector_load %arg10[%swap3A_87, %swap3A_88] {strides = array<i32>} : memref<80x128xf32, #tpu.memory_space<vmem>>, vector<1x16xf32>,
      %swap3A_90 = vector.shape_cast %swap3A_89 : vector<1x16xf32> to vector<16xf32>
      %swap3A_91 = vector.shape_cast %broadcast_in_dim3A_86 : vector<16xf32> to vector<1x16xf32>
      tpu.vector_store %arg10[%swap3A_87, %swap3A_88], %swap3A_91 {strides = array<i32>} : memref<80x128xf32, #tpu.memory_space<vmem>>, vector<1x16xf32>,
      %broadcast_in_dim3A_92 = arith.constant 0.000000e+00 : f32
      %broadcast_in_dim3A_93 = vector.broadcast %broadcast_in_dim3A_92 : f32 to vector<16xf32>
      %swap3A_94 = arith.index_cast %scan3A_57 : i32 to index
      %swap3A_95 = arith.constant 80 : index
      %swap3A_96 = tpu.vector_load %arg10[%swap3A_94, %swap3A_95] {strides = array<i32>} : memref<80x128xf32, #tpu.memory_space<vmem>>, vector<1x16xf32>,
      %swap3A_97 = vector.shape_cast %swap3A_96 : vector<1x16xf32> to vector<16xf32>
      %swap3A_98 = vector.shape_cast %broadcast_in_dim3A_93 : vector<16xf32> to vector<1x16xf32>
      tpu.vector_store %arg10[%swap3A_94, %swap3A_95], %swap3A_98 {strides = array<i32>} : memref<80x128xf32, #tpu.memory_space<vmem>>, vector<1x16xf32>,
      %broadcast_in_dim3A_99 = arith.constant 0.000000e+00 : f32
      %broadcast_in_dim3A_100 = vector.broadcast %broadcast_in_dim3A_99 : f32 to vector<16xf32>
      %swap3A_101 = arith.index_cast %scan3A_57 : i32 to index
      %swap3A_102 = arith.constant 96 : index
      %swap3A_103 = tpu.vector_load %arg10[%swap3A_101, %swap3A_102] {strides = array<i32>} : memref<80x128xf32, #tpu.memory_space<vmem>>, vector<1x16xf32>,
      %swap3A_104 = vector.shape_cast %swap3A_103 : vector<1x16xf32> to vector<16xf32>
      %swap3A_105 = vector.shape_cast %broadcast_in_dim3A_100 : vector<16xf32> to vector<1x16xf32>
      tpu.vector_store %arg10[%swap3A_101, %swap3A_102], %swap3A_105 {strides = array<i32>} : memref<80x128xf32, #tpu.memory_space<vmem>>, vector<1x16xf32>,
      %broadcast_in_dim3A_106 = arith.constant 0.000000e+00 : f32
      %broadcast_in_dim3A_107 = vector.broadcast %broadcast_in_dim3A_106 : f32 to vector<16xf32>
      %swap3A_108 = arith.index_cast %scan3A_57 : i32 to index
      %swap3A_109 = arith.constant 112 : index
      %swap3A_110 = tpu.vector_load %arg10[%swap3A_108, %swap3A_109] {strides = array<i32>} : memref<80x128xf32, #tpu.memory_space<vmem>>, vector<1x16xf32>,
      %swap3A_111 = vector.shape_cast %swap3A_110 : vector<1x16xf32> to vector<16xf32>
      %swap3A_112 = vector.shape_cast %broadcast_in_dim3A_107 : vector<16xf32> to vector<1x16xf32>
      tpu.vector_store %arg10[%swap3A_108, %swap3A_109], %swap3A_112 {strides = array<i32>} : memref<80x128xf32, #tpu.memory_space<vmem>>, vector<1x16xf32>,
      %scan3A_113 = arith.constant 0 : i32
      scf.yield %scan3A_113 : i32
    }
    %scan3A_19 = arith.constant 80 : i32
    %scan3A_20 = arith.constant 0 : i32
    %scan3A_21 = arith.constant 0 : i32
    %scan3A_22 = arith.constant 8 : i32
    %scan3A_23 = arith.addi %scan3A_21, %scan3A_22 : i32
    %scan3A_24 = arith.constant 1 : i32
    %scan3A_25 = scf.for %scan3A_57 = %scan3A_21 to %scan3A_23 step %scan3A_24 iter_args(%scan3A_58 = %scan3A_20) -> (i32)  : i32 {
      %mul3A_59 = arith.constant 16 : i32
      %mul3A_60 = arith.muli %scan3A_57, %mul3A_59 : i32
      %add3A_61 = arith.addi %arg1, %mul3A_60 : i32
      %lt3A = arith.constant 125 : i32
      %lt3A_62 = arith.cmpi slt, %add3A_61, %lt3A : i32
      %convert_element_type3A = arith.extui %lt3A_62 : i1 to i32
      %cond3A = arith.constant 0 : i32
      %cond3A_63 = arith.cmpi ne, %convert_element_type3A, %cond3A : i32
      scf.if %cond3A_63 {
        %mul3A_65 = arith.constant 80 : i32
        %mul3A_66 = arith.muli %add3A_61, %mul3A_65 : i32
        "tpu.region"() ({
          %run_scoped3A_67 = tpu.sem_alloc : memref<!tpu.dma_semaphore, #tpu.memory_space<semaphore_mem>>
          %dma_start3A_68 = arith.constant 0 : i32
          %dma_start3A_69 = tpu.memref_slice %arg11[%mul3A_66, %dma_start3A_68] : memref<10000x128xf32, #tpu.memory_space<vmem_shared>> -> memref<80x128xf32, #tpu.memory_space<vmem_shared>>
          %dma_start3A_70 = arith.constant 0 : i32
          %dma_start3A_71 = tpu.memref_slice %arg11[%mul3A_66, %dma_start3A_70] : memref<10000x128xf32, #tpu.memory_space<vmem_shared>> -> memref<80x128xf32, #tpu.memory_space<vmem_shared>>
          tpu.enqueue_dma source(%arg10 : memref<80x128xf32, #tpu.memory_space<vmem>>) target(%dma_start3A_71 : memref<80x128xf32, #tpu.memory_space<vmem_shared>>) target_semaphore(%run_scoped3A_67 : memref<!tpu.dma_semaphore, #tpu.memory_space<semaphore_mem>>)
          %dma_wait3A_72 = arith.constant 0 : i32
          %dma_wait3A_73 = tpu.memref_slice %arg11[%mul3A_66, %dma_wait3A_72] : memref<10000x128xf32, #tpu.memory_space<vmem_shared>> -> memref<80x128xf32, #tpu.memory_space<vmem_shared>>
          %dma_wait3A_74 = arith.constant 0 : i32
          %dma_wait3A_75 = tpu.memref_slice %arg11[%mul3A_66, %dma_wait3A_74] : memref<10000x128xf32, #tpu.memory_space<vmem_shared>> -> memref<80x128xf32, #tpu.memory_space<vmem_shared>>
          tpu.wait_dma2 semaphore(%run_scoped3A_67 : memref<!tpu.dma_semaphore, #tpu.memory_space<semaphore_mem>>) src(%arg10 : memref<80x128xf32, #tpu.memory_space<vmem>>) dst(%dma_wait3A_75 : memref<80x128xf32, #tpu.memory_space<vmem_shared>>)
          tpu.yield
        }) : () -> ()
      } else {
      }
      %scan3A_64 = arith.constant 0 : i32
      scf.yield %scan3A_64 : i32
    }
    %scan3A_26 = arith.constant 8 : i32
    %barrier3A = arith.constant 0 : index
    tpu.barrier barrier_id(%barrier3A)
    %scan3A_27 = arith.constant 0 : i32
    %scan3A_28 = arith.constant 0 : i32
    %scan3A_29 = arith.constant 41 : i32
    %scan3A_30 = arith.addi %scan3A_28, %scan3A_29 : i32
    %scan3A_31 = arith.constant 1 : i32
    %scan3A_32 = scf.for %scan3A_57 = %scan3A_28 to %scan3A_30 step %scan3A_31 iter_args(%scan3A_58 = %scan3A_27) -> (i32)  : i32 {
      %mul3A_59 = arith.constant 3 : i32
      %mul3A_60 = arith.muli %scan3A_57, %mul3A_59 : i32
      %add3A_61 = arith.constant 0 : i32
      %add3A_62 = arith.addi %mul3A_60, %add3A_61 : i32
      %add3A_63 = arith.constant 3 : i32
      %add3A_64 = arith.addi %add3A_62, %add3A_63 : i32
      %sub3A = arith.constant 1 : i32
      %sub3A_65 = arith.subi %add3A_64, %sub3A : i32
      %lt3A = arith.constant 125 : i32
      %lt3A_66 = arith.cmpi slt, %sub3A_65, %lt3A : i32
      %convert_element_type3A = arith.extui %lt3A_66 : i1 to i32
      %cond3A = arith.constant 0 : i32
      %cond3A_67 = arith.cmpi ne, %convert_element_type3A, %cond3A : i32
      scf.if %cond3A_67 {
        %dma_start3A_109 = arith.constant 0 : i32
        %dma_start3A_110 = tpu.memref_slice %arg6[%sub3A_65, %dma_start3A_109] : memref<125x80xi32, #tpu.memory_space<vmem>> -> memref<1x80xi32, #tpu.memory_space<vmem>>
        %dma_start3A_111 = tpu.memref_squeeze %dma_start3A_110 : memref<1x80xi32, #tpu.memory_space<vmem>> -> memref<80xi32, #tpu.memory_space<vmem>>
        %dma_start3A_112 = arith.constant 0 : i32
        %dma_start3A_113 = arith.constant 0 : i32
        %dma_start3A_114 = tpu.memref_slice %arg4[%dma_start3A_112, %dma_start3A_113] : memref<10000x128xf32, #tpu.memory_space<hbm>> -> memref<10000x128xf32, #tpu.memory_space<hbm>>
        tpu.enqueue_indirect_dma source(%dma_start3A_114 : memref<10000x128xf32, #tpu.memory_space<hbm>>) target(%arg10 : memref<80x128xf32, #tpu.memory_space<vmem>>) offsets(%dma_start3A_111 : memref<80xi32, #tpu.memory_space<vmem>>) semaphore(%arg14 : memref<!tpu.dma_semaphore, #tpu.memory_space<semaphore_mem>>)
      } else {
      }
      %dma_wait3A_68 = arith.constant 0 : i32
      %dma_wait3A_69 = tpu.memref_slice %arg6[%add3A_62, %dma_wait3A_68] : memref<125x80xi32, #tpu.memory_space<vmem>> -> memref<1x80xi32, #tpu.memory_space<vmem>>
      %dma_wait3A_70 = tpu.memref_squeeze %dma_wait3A_69 : memref<1x80xi32, #tpu.memory_space<vmem>> -> memref<80xi32, #tpu.memory_space<vmem>>
      %dma_wait3A_71 = arith.constant 0 : i32
      %dma_wait3A_72 = arith.constant 0 : i32
      %dma_wait3A_73 = tpu.memref_slice %arg4[%dma_wait3A_71, %dma_wait3A_72] : memref<10000x128xf32, #tpu.memory_space<hbm>> -> memref<10000x128xf32, #tpu.memory_space<hbm>>
      tpu.wait_indirect_dma semaphore(%arg12 : memref<!tpu.dma_semaphore, #tpu.memory_space<semaphore_mem>>) src(%dma_wait3A_73 : memref<10000x128xf32, #tpu.memory_space<hbm>>) dst(%arg8 : memref<80x128xf32, #tpu.memory_space<vmem>>)
      "tpu.region"() ({
        %run_scoped3A_109 = tpu.sem_alloc : memref<!tpu.dma_semaphore, #tpu.memory_space<semaphore_mem>>
        %dma_start3A_110 = arith.constant 0 : i32
        %dma_start3A_111 = tpu.memref_slice %arg7[%add3A_62, %dma_start3A_110] : memref<125x80xi32, #tpu.memory_space<vmem>> -> memref<1x80xi32, #tpu.memory_space<vmem>>
        %dma_start3A_112 = tpu.memref_squeeze %dma_start3A_111 : memref<1x80xi32, #tpu.memory_space<vmem>> -> memref<80xi32, #tpu.memory_space<vmem>>
        %dma_start3A_113 = arith.constant 0 : i32
        %dma_start3A_114 = arith.constant 0 : i32
        %dma_start3A_115 = tpu.memref_slice %arg11[%dma_start3A_113, %dma_start3A_114] : memref<10000x128xf32, #tpu.memory_space<vmem_shared>> -> memref<10000x128xf32, #tpu.memory_space<vmem_shared>>
        tpu.enqueue_indirect_dma source(%arg8 : memref<80x128xf32, #tpu.memory_space<vmem>>) target(%dma_start3A_115 : memref<10000x128xf32, #tpu.memory_space<vmem_shared>>) offsets(%dma_start3A_112 : memref<80xi32, #tpu.memory_space<vmem>>) semaphore(%run_scoped3A_109 : memref<!tpu.dma_semaphore, #tpu.memory_space<semaphore_mem>>) {add = true}
        %dma_wait3A_116 = arith.constant 0 : i32
        %dma_wait3A_117 = tpu.memref_slice %arg7[%add3A_62, %dma_wait3A_116] : memref<125x80xi32, #tpu.memory_space<vmem>> -> memref<1x80xi32, #tpu.memory_space<vmem>>
        %dma_wait3A_118 = tpu.memref_squeeze %dma_wait3A_117 : memref<1x80xi32, #tpu.memory_space<vmem>> -> memref<80xi32, #tpu.memory_space<vmem>>
        %dma_wait3A_119 = arith.constant 0 : i32
        %dma_wait3A_120 = arith.constant 0 : i32
        %dma_wait3A_121 = tpu.memref_slice %arg11[%dma_wait3A_119, %dma_wait3A_120] : memref<10000x128xf32, #tpu.memory_space<vmem_shared>> -> memref<10000x128xf32, #tpu.memory_space<vmem_shared>>
        tpu.wait_indirect_dma semaphore(%run_scoped3A_109 : memref<!tpu.dma_semaphore, #tpu.memory_space<semaphore_mem>>) src(%arg8 : memref<80x128xf32, #tpu.memory_space<vmem>>) dst(%dma_wait3A_121 : memref<10000x128xf32, #tpu.memory_space<vmem_shared>>)
        tpu.yield
      }) : () -> ()
      %add3A_74 = arith.constant 1 : i32
      %add3A_75 = arith.addi %mul3A_60, %add3A_74 : i32
      %add3A_76 = arith.constant 3 : i32
      %add3A_77 = arith.addi %add3A_75, %add3A_76 : i32
      %sub3A_78 = arith.constant 1 : i32
      %sub3A_79 = arith.subi %add3A_77, %sub3A_78 : i32
      %lt3A_80 = arith.constant 125 : i32
      %lt3A_81 = arith.cmpi slt, %sub3A_79, %lt3A_80 : i32
      %convert_element_type3A_82 = arith.extui %lt3A_81 : i1 to i32
      %cond3A_83 = arith.constant 0 : i32
      %cond3A_84 = arith.cmpi ne, %convert_element_type3A_82, %cond3A_83 : i32
      scf.if %cond3A_84 {
        %dma_start3A_109 = arith.constant 0 : i32
        %dma_start3A_110 = tpu.memref_slice %arg6[%sub3A_79, %dma_start3A_109] : memref<125x80xi32, #tpu.memory_space<vmem>> -> memref<1x80xi32, #tpu.memory_space<vmem>>
        %dma_start3A_111 = tpu.memref_squeeze %dma_start3A_110 : memref<1x80xi32, #tpu.memory_space<vmem>> -> memref<80xi32, #tpu.memory_space<vmem>>
        %dma_start3A_112 = arith.constant 0 : i32
        %dma_start3A_113 = arith.constant 0 : i32
        %dma_start3A_114 = tpu.memref_slice %arg4[%dma_start3A_112, %dma_start3A_113] : memref<10000x128xf32, #tpu.memory_space<hbm>> -> memref<10000x128xf32, #tpu.memory_space<hbm>>
        tpu.enqueue_indirect_dma source(%dma_start3A_114 : memref<10000x128xf32, #tpu.memory_space<hbm>>) target(%arg8 : memref<80x128xf32, #tpu.memory_space<vmem>>) offsets(%dma_start3A_111 : memref<80xi32, #tpu.memory_space<vmem>>) semaphore(%arg12 : memref<!tpu.dma_semaphore, #tpu.memory_space<semaphore_mem>>)
      } else {
      }
      %dma_wait3A_85 = arith.constant 0 : i32
      %dma_wait3A_86 = tpu.memref_slice %arg6[%add3A_75, %dma_wait3A_85] : memref<125x80xi32, #tpu.memory_space<vmem>> -> memref<1x80xi32, #tpu.memory_space<vmem>>
      %dma_wait3A_87 = tpu.memref_squeeze %dma_wait3A_86 : memref<1x80xi32, #tpu.memory_space<vmem>> -> memref<80xi32, #tpu.memory_space<vmem>>
      %dma_wait3A_88 = arith.constant 0 : i32
      %dma_wait3A_89 = arith.constant 0 : i32
      %dma_wait3A_90 = tpu.memref_slice %arg4[%dma_wait3A_88, %dma_wait3A_89] : memref<10000x128xf32, #tpu.memory_space<hbm>> -> memref<10000x128xf32, #tpu.memory_space<hbm>>
      tpu.wait_indirect_dma semaphore(%arg13 : memref<!tpu.dma_semaphore, #tpu.memory_space<semaphore_mem>>) src(%dma_wait3A_90 : memref<10000x128xf32, #tpu.memory_space<hbm>>) dst(%arg9 : memref<80x128xf32, #tpu.memory_space<vmem>>)
      "tpu.region"() ({
        %run_scoped3A_109 = tpu.sem_alloc : memref<!tpu.dma_semaphore, #tpu.memory_space<semaphore_mem>>
        %dma_start3A_110 = arith.constant 0 : i32
        %dma_start3A_111 = tpu.memref_slice %arg7[%add3A_75, %dma_start3A_110] : memref<125x80xi32, #tpu.memory_space<vmem>> -> memref<1x80xi32, #tpu.memory_space<vmem>>
        %dma_start3A_112 = tpu.memref_squeeze %dma_start3A_111 : memref<1x80xi32, #tpu.memory_space<vmem>> -> memref<80xi32, #tpu.memory_space<vmem>>
        %dma_start3A_113 = arith.constant 0 : i32
        %dma_start3A_114 = arith.constant 0 : i32
        %dma_start3A_115 = tpu.memref_slice %arg11[%dma_start3A_113, %dma_start3A_114] : memref<10000x128xf32, #tpu.memory_space<vmem_shared>> -> memref<10000x128xf32, #tpu.memory_space<vmem_shared>>
        tpu.enqueue_indirect_dma source(%arg9 : memref<80x128xf32, #tpu.memory_space<vmem>>) target(%dma_start3A_115 : memref<10000x128xf32, #tpu.memory_space<vmem_shared>>) offsets(%dma_start3A_112 : memref<80xi32, #tpu.memory_space<vmem>>) semaphore(%run_scoped3A_109 : memref<!tpu.dma_semaphore, #tpu.memory_space<semaphore_mem>>) {add = true}
        %dma_wait3A_116 = arith.constant 0 : i32
        %dma_wait3A_117 = tpu.memref_slice %arg7[%add3A_75, %dma_wait3A_116] : memref<125x80xi32, #tpu.memory_space<vmem>> -> memref<1x80xi32, #tpu.memory_space<vmem>>
        %dma_wait3A_118 = tpu.memref_squeeze %dma_wait3A_117 : memref<1x80xi32, #tpu.memory_space<vmem>> -> memref<80xi32, #tpu.memory_space<vmem>>
        %dma_wait3A_119 = arith.constant 0 : i32
        %dma_wait3A_120 = arith.constant 0 : i32
        %dma_wait3A_121 = tpu.memref_slice %arg11[%dma_wait3A_119, %dma_wait3A_120] : memref<10000x128xf32, #tpu.memory_space<vmem_shared>> -> memref<10000x128xf32, #tpu.memory_space<vmem_shared>>
        tpu.wait_indirect_dma semaphore(%run_scoped3A_109 : memref<!tpu.dma_semaphore, #tpu.memory_space<semaphore_mem>>) src(%arg9 : memref<80x128xf32, #tpu.memory_space<vmem>>) dst(%dma_wait3A_121 : memref<10000x128xf32, #tpu.memory_space<vmem_shared>>)
        tpu.yield
      }) : () -> ()
      %add3A_91 = arith.constant 2 : i32
      %add3A_92 = arith.addi %mul3A_60, %add3A_91 : i32
      %add3A_93 = arith.constant 3 : i32
      %add3A_94 = arith.addi %add3A_92, %add3A_93 : i32
      %sub3A_95 = arith.constant 1 : i32
      %sub3A_96 = arith.subi %add3A_94, %sub3A_95 : i32
      %lt3A_97 = arith.constant 125 : i32
      %lt3A_98 = arith.cmpi slt, %sub3A_96, %lt3A_97 : i32
      %convert_element_type3A_99 = arith.extui %lt3A_98 : i1 to i32
      %cond3A_100 = arith.constant 0 : i32
      %cond3A_101 = arith.cmpi ne, %convert_element_type3A_99, %cond3A_100 : i32
      scf.if %cond3A_101 {
        %dma_start3A_109 = arith.constant 0 : i32
        %dma_start3A_110 = tpu.memref_slice %arg6[%sub3A_96, %dma_start3A_109] : memref<125x80xi32, #tpu.memory_space<vmem>> -> memref<1x80xi32, #tpu.memory_space<vmem>>
        %dma_start3A_111 = tpu.memref_squeeze %dma_start3A_110 : memref<1x80xi32, #tpu.memory_space<vmem>> -> memref<80xi32, #tpu.memory_space<vmem>>
        %dma_start3A_112 = arith.constant 0 : i32
        %dma_start3A_113 = arith.constant 0 : i32
        %dma_start3A_114 = tpu.memref_slice %arg4[%dma_start3A_112, %dma_start3A_113] : memref<10000x128xf32, #tpu.memory_space<hbm>> -> memref<10000x128xf32, #tpu.memory_space<hbm>>
        tpu.enqueue_indirect_dma source(%dma_start3A_114 : memref<10000x128xf32, #tpu.memory_space<hbm>>) target(%arg9 : memref<80x128xf32, #tpu.memory_space<vmem>>) offsets(%dma_start3A_111 : memref<80xi32, #tpu.memory_space<vmem>>) semaphore(%arg13 : memref<!tpu.dma_semaphore, #tpu.memory_space<semaphore_mem>>)
      } else {
      }
      %dma_wait3A_102 = arith.constant 0 : i32
      %dma_wait3A_103 = tpu.memref_slice %arg6[%add3A_92, %dma_wait3A_102] : memref<125x80xi32, #tpu.memory_space<vmem>> -> memref<1x80xi32, #tpu.memory_space<vmem>>
      %dma_wait3A_104 = tpu.memref_squeeze %dma_wait3A_103 : memref<1x80xi32, #tpu.memory_space<vmem>> -> memref<80xi32, #tpu.memory_space<vmem>>
      %dma_wait3A_105 = arith.constant 0 : i32
      %dma_wait3A_106 = arith.constant 0 : i32
      %dma_wait3A_107 = tpu.memref_slice %arg4[%dma_wait3A_105, %dma_wait3A_106] : memref<10000x128xf32, #tpu.memory_space<hbm>> -> memref<10000x128xf32, #tpu.memory_space<hbm>>
      tpu.wait_indirect_dma semaphore(%arg14 : memref<!tpu.dma_semaphore, #tpu.memory_space<semaphore_mem>>) src(%dma_wait3A_107 : memref<10000x128xf32, #tpu.memory_space<hbm>>) dst(%arg10 : memref<80x128xf32, #tpu.memory_space<vmem>>)
      "tpu.region"() ({
        %run_scoped3A_109 = tpu.sem_alloc : memref<!tpu.dma_semaphore, #tpu.memory_space<semaphore_mem>>
        %dma_start3A_110 = arith.constant 0 : i32
        %dma_start3A_111 = tpu.memref_slice %arg7[%add3A_92, %dma_start3A_110] : memref<125x80xi32, #tpu.memory_space<vmem>> -> memref<1x80xi32, #tpu.memory_space<vmem>>
        %dma_start3A_112 = tpu.memref_squeeze %dma_start3A_111 : memref<1x80xi32, #tpu.memory_space<vmem>> -> memref<80xi32, #tpu.memory_space<vmem>>
        %dma_start3A_113 = arith.constant 0 : i32
        %dma_start3A_114 = arith.constant 0 : i32
        %dma_start3A_115 = tpu.memref_slice %arg11[%dma_start3A_113, %dma_start3A_114] : memref<10000x128xf32, #tpu.memory_space<vmem_shared>> -> memref<10000x128xf32, #tpu.memory_space<vmem_shared>>
        tpu.enqueue_indirect_dma source(%arg10 : memref<80x128xf32, #tpu.memory_space<vmem>>) target(%dma_start3A_115 : memref<10000x128xf32, #tpu.memory_space<vmem_shared>>) offsets(%dma_start3A_112 : memref<80xi32, #tpu.memory_space<vmem>>) semaphore(%run_scoped3A_109 : memref<!tpu.dma_semaphore, #tpu.memory_space<semaphore_mem>>) {add = true}
        %dma_wait3A_116 = arith.constant 0 : i32
        %dma_wait3A_117 = tpu.memref_slice %arg7[%add3A_92, %dma_wait3A_116] : memref<125x80xi32, #tpu.memory_space<vmem>> -> memref<1x80xi32, #tpu.memory_space<vmem>>
        %dma_wait3A_118 = tpu.memref_squeeze %dma_wait3A_117 : memref<1x80xi32, #tpu.memory_space<vmem>> -> memref<80xi32, #tpu.memory_space<vmem>>
        %dma_wait3A_119 = arith.constant 0 : i32
        %dma_wait3A_120 = arith.constant 0 : i32
        %dma_wait3A_121 = tpu.memref_slice %arg11[%dma_wait3A_119, %dma_wait3A_120] : memref<10000x128xf32, #tpu.memory_space<vmem_shared>> -> memref<10000x128xf32, #tpu.memory_space<vmem_shared>>
        tpu.wait_indirect_dma semaphore(%run_scoped3A_109 : memref<!tpu.dma_semaphore, #tpu.memory_space<semaphore_mem>>) src(%arg10 : memref<80x128xf32, #tpu.memory_space<vmem>>) dst(%dma_wait3A_121 : memref<10000x128xf32, #tpu.memory_space<vmem_shared>>)
        tpu.yield
      }) : () -> ()
      %scan3A_108 = arith.constant 0 : i32
      scf.yield %scan3A_108 : i32
    }
    %scan3A_33 = arith.constant 41 : i32
    %dma_wait3A = arith.constant 123 : i32
    %dma_wait3A_34 = arith.constant 0 : i32
    %dma_wait3A_35 = tpu.memref_slice %arg6[%dma_wait3A, %dma_wait3A_34] : memref<125x80xi32, #tpu.memory_space<vmem>> -> memref<1x80xi32, #tpu.memory_space<vmem>>
    %dma_wait3A_36 = tpu.memref_squeeze %dma_wait3A_35 : memref<1x80xi32, #tpu.memory_space<vmem>> -> memref<80xi32, #tpu.memory_space<vmem>>
    %dma_wait3A_37 = arith.constant 0 : i32
    %dma_wait3A_38 = arith.constant 0 : i32
    %dma_wait3A_39 = tpu.memref_slice %arg4[%dma_wait3A_37, %dma_wait3A_38] : memref<10000x128xf32, #tpu.memory_space<hbm>> -> memref<10000x128xf32, #tpu.memory_space<hbm>>
    tpu.wait_indirect_dma semaphore(%arg12 : memref<!tpu.dma_semaphore, #tpu.memory_space<semaphore_mem>>) src(%dma_wait3A_39 : memref<10000x128xf32, #tpu.memory_space<hbm>>) dst(%arg8 : memref<80x128xf32, #tpu.memory_space<vmem>>)
    %run_scoped3A = arith.constant 123 : i32
    "tpu.region"() ({
      %run_scoped3A_57 = tpu.sem_alloc : memref<!tpu.dma_semaphore, #tpu.memory_space<semaphore_mem>>
      %dma_start3A_58 = arith.constant 0 : i32
      %dma_start3A_59 = tpu.memref_slice %arg7[%run_scoped3A, %dma_start3A_58] : memref<125x80xi32, #tpu.memory_space<vmem>> -> memref<1x80xi32, #tpu.memory_space<vmem>>
      %dma_start3A_60 = tpu.memref_squeeze %dma_start3A_59 : memref<1x80xi32, #tpu.memory_space<vmem>> -> memref<80xi32, #tpu.memory_space<vmem>>
      %dma_start3A_61 = arith.constant 0 : i32
      %dma_start3A_62 = arith.constant 0 : i32
      %dma_start3A_63 = tpu.memref_slice %arg11[%dma_start3A_61, %dma_start3A_62] : memref<10000x128xf32, #tpu.memory_space<vmem_shared>> -> memref<10000x128xf32, #tpu.memory_space<vmem_shared>>
      tpu.enqueue_indirect_dma source(%arg8 : memref<80x128xf32, #tpu.memory_space<vmem>>) target(%dma_start3A_63 : memref<10000x128xf32, #tpu.memory_space<vmem_shared>>) offsets(%dma_start3A_60 : memref<80xi32, #tpu.memory_space<vmem>>) semaphore(%run_scoped3A_57 : memref<!tpu.dma_semaphore, #tpu.memory_space<semaphore_mem>>) {add = true}
      %dma_wait3A_64 = arith.constant 0 : i32
      %dma_wait3A_65 = tpu.memref_slice %arg7[%run_scoped3A, %dma_wait3A_64] : memref<125x80xi32, #tpu.memory_space<vmem>> -> memref<1x80xi32, #tpu.memory_space<vmem>>
      %dma_wait3A_66 = tpu.memref_squeeze %dma_wait3A_65 : memref<1x80xi32, #tpu.memory_space<vmem>> -> memref<80xi32, #tpu.memory_space<vmem>>
      %dma_wait3A_67 = arith.constant 0 : i32
      %dma_wait3A_68 = arith.constant 0 : i32
      %dma_wait3A_69 = tpu.memref_slice %arg11[%dma_wait3A_67, %dma_wait3A_68] : memref<10000x128xf32, #tpu.memory_space<vmem_shared>> -> memref<10000x128xf32, #tpu.memory_space<vmem_shared>>
      tpu.wait_indirect_dma semaphore(%run_scoped3A_57 : memref<!tpu.dma_semaphore, #tpu.memory_space<semaphore_mem>>) src(%arg8 : memref<80x128xf32, #tpu.memory_space<vmem>>) dst(%dma_wait3A_69 : memref<10000x128xf32, #tpu.memory_space<vmem_shared>>)
      tpu.yield
    }) : () -> ()
    %dma_wait3A_40 = arith.constant 124 : i32
    %dma_wait3A_41 = arith.constant 0 : i32
    %dma_wait3A_42 = tpu.memref_slice %arg6[%dma_wait3A_40, %dma_wait3A_41] : memref<125x80xi32, #tpu.memory_space<vmem>> -> memref<1x80xi32, #tpu.memory_space<vmem>>
    %dma_wait3A_43 = tpu.memref_squeeze %dma_wait3A_42 : memref<1x80xi32, #tpu.memory_space<vmem>> -> memref<80xi32, #tpu.memory_space<vmem>>
    %dma_wait3A_44 = arith.constant 0 : i32
    %dma_wait3A_45 = arith.constant 0 : i32
    %dma_wait3A_46 = tpu.memref_slice %arg4[%dma_wait3A_44, %dma_wait3A_45] : memref<10000x128xf32, #tpu.memory_space<hbm>> -> memref<10000x128xf32, #tpu.memory_space<hbm>>
    tpu.wait_indirect_dma semaphore(%arg13 : memref<!tpu.dma_semaphore, #tpu.memory_space<semaphore_mem>>) src(%dma_wait3A_46 : memref<10000x128xf32, #tpu.memory_space<hbm>>) dst(%arg9 : memref<80x128xf32, #tpu.memory_space<vmem>>)
    %run_scoped3A_47 = arith.constant 124 : i32
    "tpu.region"() ({
      %run_scoped3A_57 = tpu.sem_alloc : memref<!tpu.dma_semaphore, #tpu.memory_space<semaphore_mem>>
      %dma_start3A_58 = arith.constant 0 : i32
      %dma_start3A_59 = tpu.memref_slice %arg7[%run_scoped3A_47, %dma_start3A_58] : memref<125x80xi32, #tpu.memory_space<vmem>> -> memref<1x80xi32, #tpu.memory_space<vmem>>
      %dma_start3A_60 = tpu.memref_squeeze %dma_start3A_59 : memref<1x80xi32, #tpu.memory_space<vmem>> -> memref<80xi32, #tpu.memory_space<vmem>>
      %dma_start3A_61 = arith.constant 0 : i32
      %dma_start3A_62 = arith.constant 0 : i32
      %dma_start3A_63 = tpu.memref_slice %arg11[%dma_start3A_61, %dma_start3A_62] : memref<10000x128xf32, #tpu.memory_space<vmem_shared>> -> memref<10000x128xf32, #tpu.memory_space<vmem_shared>>
      tpu.enqueue_indirect_dma source(%arg9 : memref<80x128xf32, #tpu.memory_space<vmem>>) target(%dma_start3A_63 : memref<10000x128xf32, #tpu.memory_space<vmem_shared>>) offsets(%dma_start3A_60 : memref<80xi32, #tpu.memory_space<vmem>>) semaphore(%run_scoped3A_57 : memref<!tpu.dma_semaphore, #tpu.memory_space<semaphore_mem>>) {add = true}
      %dma_wait3A_64 = arith.constant 0 : i32
      %dma_wait3A_65 = tpu.memref_slice %arg7[%run_scoped3A_47, %dma_wait3A_64] : memref<125x80xi32, #tpu.memory_space<vmem>> -> memref<1x80xi32, #tpu.memory_space<vmem>>
      %dma_wait3A_66 = tpu.memref_squeeze %dma_wait3A_65 : memref<1x80xi32, #tpu.memory_space<vmem>> -> memref<80xi32, #tpu.memory_space<vmem>>
      %dma_wait3A_67 = arith.constant 0 : i32
      %dma_wait3A_68 = arith.constant 0 : i32
      %dma_wait3A_69 = tpu.memref_slice %arg11[%dma_wait3A_67, %dma_wait3A_68] : memref<10000x128xf32, #tpu.memory_space<vmem_shared>> -> memref<10000x128xf32, #tpu.memory_space<vmem_shared>>
      tpu.wait_indirect_dma semaphore(%run_scoped3A_57 : memref<!tpu.dma_semaphore, #tpu.memory_space<semaphore_mem>>) src(%arg9 : memref<80x128xf32, #tpu.memory_space<vmem>>) dst(%dma_wait3A_69 : memref<10000x128xf32, #tpu.memory_space<vmem_shared>>)
      tpu.yield
    }) : () -> ()
    %barrier3A_48 = arith.constant 0 : index
    tpu.barrier barrier_id(%barrier3A_48)
    %scan3A_49 = arith.constant 0 : i32
    %scan3A_50 = arith.constant 0 : i32
    %scan3A_51 = arith.constant 8 : i32
    %scan3A_52 = arith.addi %scan3A_50, %scan3A_51 : i32
    %scan3A_53 = arith.constant 1 : i32
    %scan3A_54 = scf.for %scan3A_57 = %scan3A_50 to %scan3A_52 step %scan3A_53 iter_args(%scan3A_58 = %scan3A_49) -> (i32)  : i32 {
      %mul3A_59 = arith.constant 16 : i32
      %mul3A_60 = arith.muli %scan3A_57, %mul3A_59 : i32
      %add3A_61 = arith.addi %arg1, %mul3A_60 : i32
      %lt3A = arith.constant 125 : i32
      %lt3A_62 = arith.cmpi slt, %add3A_61, %lt3A : i32
      %convert_element_type3A = arith.extui %lt3A_62 : i1 to i32
      %cond3A = arith.constant 0 : i32
      %cond3A_63 = arith.cmpi ne, %convert_element_type3A, %cond3A : i32
      scf.if %cond3A_63 {
        %mul3A_65 = arith.constant 80 : i32
        %mul3A_66 = arith.muli %add3A_61, %mul3A_65 : i32
        %mul3A_67 = arith.constant 80 : i32
        %mul3A_68 = arith.muli %add3A_61, %mul3A_67 : i32
        %run_scoped3A_69 = arith.constant 0 : i32
        "tpu.region"() ({
          %run_scoped3A_70 = tpu.sem_alloc : memref<!tpu.dma_semaphore, #tpu.memory_space<semaphore_mem>>
          %dma_start3A_71 = arith.constant 0 : i32
          %dma_start3A_72 = tpu.memref_slice %arg5[%arg0, %run_scoped3A_69, %mul3A_68, %dma_start3A_71] : memref<2x1x10000x128xf32, #tpu.memory_space<hbm>> -> memref<1x1x80x128xf32, #tpu.memory_space<hbm>>
          %dma_start3A_73 = tpu.memref_squeeze %dma_start3A_72 : memref<1x1x80x128xf32, #tpu.memory_space<hbm>> -> memref<80x128xf32, #tpu.memory_space<hbm>>
          %dma_start3A_74 = arith.constant 0 : i32
          %dma_start3A_75 = tpu.memref_slice %arg11[%mul3A_66, %dma_start3A_74] : memref<10000x128xf32, #tpu.memory_space<vmem_shared>> -> memref<80x128xf32, #tpu.memory_space<vmem_shared>>
          tpu.enqueue_dma source(%dma_start3A_75 : memref<80x128xf32, #tpu.memory_space<vmem_shared>>) target(%dma_start3A_73 : memref<80x128xf32, #tpu.memory_space<hbm>>) target_semaphore(%run_scoped3A_70 : memref<!tpu.dma_semaphore, #tpu.memory_space<semaphore_mem>>)
          %dma_wait3A_76 = arith.constant 0 : i32
          %dma_wait3A_77 = tpu.memref_slice %arg5[%arg0, %run_scoped3A_69, %mul3A_68, %dma_wait3A_76] : memref<2x1x10000x128xf32, #tpu.memory_space<hbm>> -> memref<1x1x80x128xf32, #tpu.memory_space<hbm>>
          %dma_wait3A_78 = tpu.memref_squeeze %dma_wait3A_77 : memref<1x1x80x128xf32, #tpu.memory_space<hbm>> -> memref<80x128xf32, #tpu.memory_space<hbm>>
          %dma_wait3A_79 = arith.constant 0 : i32
          %dma_wait3A_80 = tpu.memref_slice %arg11[%mul3A_66, %dma_wait3A_79] : memref<10000x128xf32, #tpu.memory_space<vmem_shared>> -> memref<80x128xf32, #tpu.memory_space<vmem_shared>>
          tpu.wait_dma2 semaphore(%run_scoped3A_70 : memref<!tpu.dma_semaphore, #tpu.memory_space<semaphore_mem>>) src(%dma_wait3A_80 : memref<80x128xf32, #tpu.memory_space<vmem_shared>>) dst(%dma_wait3A_78 : memref<80x128xf32, #tpu.memory_space<hbm>>)
          tpu.yield
        }) : () -> ()
      } else {
      }
      %scan3A_64 = arith.constant 0 : i32
      scf.yield %scan3A_64 : i32
    }
    %scan3A_55 = arith.constant 8 : i32
    %barrier3A_56 = arith.constant 0 : index
    tpu.barrier barrier_id(%barrier3A_56)
    return
  }
}

#map = affine_map<(d0, d1) -> (0, 0, 0)>
#map1 = affine_map<(d0, d1) -> (0)>
module attributes {stable_mosaic.version = 14 : i64} {
  func.func @_deg_body(%arg0: i32, %arg1: i32, %arg2: memref<32x125x80xi32, #tpu.memory_space<hbm>>, %arg3: memref<20000xf32, #tpu.memory_space<hbm>>, %arg4: memref<125x80xi32, #tpu.memory_space<vmem>>, %arg5: memref<80xf32, #tpu.memory_space<vmem>>, %arg6: memref<10000xf32, #tpu.memory_space<vmem>>, %arg7: memref<10000xf32, #tpu.memory_space<vmem_shared>>, %arg8: memref<!tpu.dma_semaphore, #tpu.memory_space<semaphore_mem>>) attributes {dimension_semantics = [#tpu.dimension_semantics<core_parallel>, #tpu.dimension_semantics<subcore_parallel>], iteration_bounds = array<i64: 2, 16>, scalar_prefetch = 0 : i64, scratch_operands = 5 : i64, tpu.core_type = #tpu.core_type<sc_vector_subcore>, window_params = [{transform_indices = #map}, {transform_indices = #map1}]} {
    %mul3A = arith.constant 2 : i32
    %mul3A_0 = arith.muli %arg1, %mul3A : i32
    %add3A = arith.addi %mul3A_0, %arg0 : i32
    "tpu.region"() ({
      %run_scoped3A = tpu.sem_alloc : memref<!tpu.dma_semaphore, #tpu.memory_space<semaphore_mem>>
      %dma_start3A = arith.constant 0 : i32
      %dma_start3A_29 = arith.constant 0 : i32
      %dma_start3A_30 = tpu.memref_slice %arg2[%add3A, %dma_start3A, %dma_start3A_29] : memref<32x125x80xi32, #tpu.memory_space<hbm>> -> memref<1x125x80xi32, #tpu.memory_space<hbm>>
      %dma_start3A_31 = tpu.memref_squeeze %dma_start3A_30 : memref<1x125x80xi32, #tpu.memory_space<hbm>> -> memref<125x80xi32, #tpu.memory_space<hbm>>
      %dma_start3A_32 = arith.constant 0 : i32
      %dma_start3A_33 = arith.constant 0 : i32
      %dma_start3A_34 = tpu.memref_slice %arg2[%add3A, %dma_start3A_32, %dma_start3A_33] : memref<32x125x80xi32, #tpu.memory_space<hbm>> -> memref<1x125x80xi32, #tpu.memory_space<hbm>>
      %dma_start3A_35 = tpu.memref_squeeze %dma_start3A_34 : memref<1x125x80xi32, #tpu.memory_space<hbm>> -> memref<125x80xi32, #tpu.memory_space<hbm>>
      tpu.enqueue_dma source(%dma_start3A_35 : memref<125x80xi32, #tpu.memory_space<hbm>>) target(%arg4 : memref<125x80xi32, #tpu.memory_space<vmem>>) target_semaphore(%run_scoped3A : memref<!tpu.dma_semaphore, #tpu.memory_space<semaphore_mem>>)
      %dma_wait3A = arith.constant 0 : i32
      %dma_wait3A_36 = arith.constant 0 : i32
      %dma_wait3A_37 = tpu.memref_slice %arg2[%add3A, %dma_wait3A, %dma_wait3A_36] : memref<32x125x80xi32, #tpu.memory_space<hbm>> -> memref<1x125x80xi32, #tpu.memory_space<hbm>>
      %dma_wait3A_38 = tpu.memref_squeeze %dma_wait3A_37 : memref<1x125x80xi32, #tpu.memory_space<hbm>> -> memref<125x80xi32, #tpu.memory_space<hbm>>
      %dma_wait3A_39 = arith.constant 0 : i32
      %dma_wait3A_40 = arith.constant 0 : i32
      %dma_wait3A_41 = tpu.memref_slice %arg2[%add3A, %dma_wait3A_39, %dma_wait3A_40] : memref<32x125x80xi32, #tpu.memory_space<hbm>> -> memref<1x125x80xi32, #tpu.memory_space<hbm>>
      %dma_wait3A_42 = tpu.memref_squeeze %dma_wait3A_41 : memref<1x125x80xi32, #tpu.memory_space<hbm>> -> memref<125x80xi32, #tpu.memory_space<hbm>>
      tpu.wait_dma2 semaphore(%run_scoped3A : memref<!tpu.dma_semaphore, #tpu.memory_space<semaphore_mem>>) src(%dma_wait3A_42 : memref<125x80xi32, #tpu.memory_space<hbm>>) dst(%arg4 : memref<125x80xi32, #tpu.memory_space<vmem>>)
      tpu.yield
    }) : () -> ()
    %scan3A = arith.constant 0 : i32
    %scan3A_1 = arith.constant 0 : i32
    %scan3A_2 = arith.constant 5 : i32
    %scan3A_3 = arith.addi %scan3A_1, %scan3A_2 : i32
    %scan3A_4 = arith.constant 1 : i32
    %scan3A_5 = scf.for %scan3A_29 = %scan3A_1 to %scan3A_3 step %scan3A_4 iter_args(%scan3A_30 = %scan3A) -> (i32)  : i32 {
      %broadcast_in_dim3A = arith.constant 1.000000e+00 : f32
      %broadcast_in_dim3A_31 = vector.broadcast %broadcast_in_dim3A : f32 to vector<16xf32>
      %mul3A_32 = arith.constant 16 : i32
      %mul3A_33 = arith.muli %scan3A_29, %mul3A_32 : i32
      %swap3A = arith.index_cast %mul3A_33 : i32 to index
      %swap3A_34 = tpu.vector_load %arg5[%swap3A] {strides = array<i32>} : memref<80xf32, #tpu.memory_space<vmem>>, vector<16xf32>,
      %swap3A_35 = vector.shape_cast %swap3A_34 : vector<16xf32> to vector<16xf32>
      %swap3A_36 = vector.shape_cast %broadcast_in_dim3A_31 : vector<16xf32> to vector<16xf32>
      tpu.vector_store %arg5[%swap3A], %swap3A_36 {strides = array<i32>} : memref<80xf32, #tpu.memory_space<vmem>>, vector<16xf32>,
      %scan3A_37 = arith.constant 0 : i32
      scf.yield %scan3A_37 : i32
    }
    %scan3A_6 = arith.constant 5 : i32
    %scan3A_7 = arith.constant 0 : i32
    %scan3A_8 = arith.constant 0 : i32
    %scan3A_9 = arith.constant 625 : i32
    %scan3A_10 = arith.addi %scan3A_8, %scan3A_9 : i32
    %scan3A_11 = arith.constant 1 : i32
    %scan3A_12 = scf.for %scan3A_29 = %scan3A_8 to %scan3A_10 step %scan3A_11 iter_args(%scan3A_30 = %scan3A_7) -> (i32)  : i32 {
      %broadcast_in_dim3A = arith.constant 0.000000e+00 : f32
      %broadcast_in_dim3A_31 = vector.broadcast %broadcast_in_dim3A : f32 to vector<16xf32>
      %mul3A_32 = arith.constant 16 : i32
      %mul3A_33 = arith.muli %scan3A_29, %mul3A_32 : i32
      %swap3A = arith.index_cast %mul3A_33 : i32 to index
      %swap3A_34 = tpu.vector_load %arg6[%swap3A] {strides = array<i32>} : memref<10000xf32, #tpu.memory_space<vmem>>, vector<16xf32>,
      %swap3A_35 = vector.shape_cast %swap3A_34 : vector<16xf32> to vector<16xf32>
      %swap3A_36 = vector.shape_cast %broadcast_in_dim3A_31 : vector<16xf32> to vector<16xf32>
      tpu.vector_store %arg6[%swap3A], %swap3A_36 {strides = array<i32>} : memref<10000xf32, #tpu.memory_space<vmem>>, vector<16xf32>,
      %scan3A_37 = arith.constant 0 : i32
      scf.yield %scan3A_37 : i32
    }
    %scan3A_13 = arith.constant 625 : i32
    %eq3A = arith.constant 0 : i32
    %eq3A_14 = arith.cmpi eq, %arg1, %eq3A : i32
    %convert_element_type3A = arith.extui %eq3A_14 : i1 to i32
    %cond3A = arith.constant 0 : i32
    %cond3A_15 = arith.cmpi ne, %convert_element_type3A, %cond3A : i32
    scf.if %cond3A_15 {
      "tpu.region"() ({
        %run_scoped3A = tpu.sem_alloc : memref<!tpu.dma_semaphore, #tpu.memory_space<semaphore_mem>>
        tpu.enqueue_dma source(%arg6 : memref<10000xf32, #tpu.memory_space<vmem>>) target(%arg7 : memref<10000xf32, #tpu.memory_space<vmem_shared>>) target_semaphore(%run_scoped3A : memref<!tpu.dma_semaphore, #tpu.memory_space<semaphore_mem>>)
        tpu.wait_dma2 semaphore(%run_scoped3A : memref<!tpu.dma_semaphore, #tpu.memory_space<semaphore_mem>>) src(%arg6 : memref<10000xf32, #tpu.memory_space<vmem>>) dst(%arg7 : memref<10000xf32, #tpu.memory_space<vmem_shared>>)
        tpu.yield
      }) : () -> ()
    } else {
    }
    %barrier3A = arith.constant 0 : index
    tpu.barrier barrier_id(%barrier3A)
    %scan3A_16 = arith.constant 0 : i32
    %scan3A_17 = arith.constant 0 : i32
    %scan3A_18 = arith.constant 5 : i32
    %scan3A_19 = arith.addi %scan3A_17, %scan3A_18 : i32
    %scan3A_20 = arith.constant 1 : i32
    %scan3A_21 = scf.for %scan3A_29 = %scan3A_17 to %scan3A_19 step %scan3A_20 iter_args(%scan3A_30 = %scan3A_16) -> (i32)  : i32 {
      %mul3A_31 = arith.constant 25 : i32
      %mul3A_32 = arith.muli %scan3A_29, %mul3A_31 : i32
      %add3A_33 = arith.constant 0 : i32
      %add3A_34 = arith.addi %mul3A_32, %add3A_33 : i32
      %dma_start3A = arith.constant 0 : i32
      %dma_start3A_35 = tpu.memref_slice %arg4[%add3A_34, %dma_start3A] : memref<125x80xi32, #tpu.memory_space<vmem>> -> memref<1x80xi32, #tpu.memory_space<vmem>>
      %dma_start3A_36 = tpu.memref_squeeze %dma_start3A_35 : memref<1x80xi32, #tpu.memory_space<vmem>> -> memref<80xi32, #tpu.memory_space<vmem>>
      %dma_start3A_37 = arith.constant 0 : i32
      %dma_start3A_38 = tpu.memref_slice %arg7[%dma_start3A_37] : memref<10000xf32, #tpu.memory_space<vmem_shared>> -> memref<10000xf32, #tpu.memory_space<vmem_shared>>
      tpu.enqueue_indirect_dma source(%arg5 : memref<80xf32, #tpu.memory_space<vmem>>) target(%dma_start3A_38 : memref<10000xf32, #tpu.memory_space<vmem_shared>>) offsets(%dma_start3A_36 : memref<80xi32, #tpu.memory_space<vmem>>) semaphore(%arg8 : memref<!tpu.dma_semaphore, #tpu.memory_space<semaphore_mem>>) {add = true}
      %mul3A_39 = arith.constant 25 : i32
      %mul3A_40 = arith.muli %scan3A_29, %mul3A_39 : i32
      %add3A_41 = arith.constant 1 : i32
      %add3A_42 = arith.addi %mul3A_40, %add3A_41 : i32
      %dma_start3A_43 = arith.constant 0 : i32
      %dma_start3A_44 = tpu.memref_slice %arg4[%add3A_42, %dma_start3A_43] : memref<125x80xi32, #tpu.memory_space<vmem>> -> memref<1x80xi32, #tpu.memory_space<vmem>>
      %dma_start3A_45 = tpu.memref_squeeze %dma_start3A_44 : memref<1x80xi32, #tpu.memory_space<vmem>> -> memref<80xi32, #tpu.memory_space<vmem>>
      %dma_start3A_46 = arith.constant 0 : i32
      %dma_start3A_47 = tpu.memref_slice %arg7[%dma_start3A_46] : memref<10000xf32, #tpu.memory_space<vmem_shared>> -> memref<10000xf32, #tpu.memory_space<vmem_shared>>
      tpu.enqueue_indirect_dma source(%arg5 : memref<80xf32, #tpu.memory_space<vmem>>) target(%dma_start3A_47 : memref<10000xf32, #tpu.memory_space<vmem_shared>>) offsets(%dma_start3A_45 : memref<80xi32, #tpu.memory_space<vmem>>) semaphore(%arg8 : memref<!tpu.dma_semaphore, #tpu.memory_space<semaphore_mem>>) {add = true}
      %mul3A_48 = arith.constant 25 : i32
      %mul3A_49 = arith.muli %scan3A_29, %mul3A_48 : i32
      %add3A_50 = arith.constant 2 : i32
      %add3A_51 = arith.addi %mul3A_49, %add3A_50 : i32
      %dma_start3A_52 = arith.constant 0 : i32
      %dma_start3A_53 = tpu.memref_slice %arg4[%add3A_51, %dma_start3A_52] : memref<125x80xi32, #tpu.memory_space<vmem>> -> memref<1x80xi32, #tpu.memory_space<vmem>>
      %dma_start3A_54 = tpu.memref_squeeze %dma_start3A_53 : memref<1x80xi32, #tpu.memory_space<vmem>> -> memref<80xi32, #tpu.memory_space<vmem>>
      %dma_start3A_55 = arith.constant 0 : i32
      %dma_start3A_56 = tpu.memref_slice %arg7[%dma_start3A_55] : memref<10000xf32, #tpu.memory_space<vmem_shared>> -> memref<10000xf32, #tpu.memory_space<vmem_shared>>
      tpu.enqueue_indirect_dma source(%arg5 : memref<80xf32, #tpu.memory_space<vmem>>) target(%dma_start3A_56 : memref<10000xf32, #tpu.memory_space<vmem_shared>>) offsets(%dma_start3A_54 : memref<80xi32, #tpu.memory_space<vmem>>) semaphore(%arg8 : memref<!tpu.dma_semaphore, #tpu.memory_space<semaphore_mem>>) {add = true}
      %mul3A_57 = arith.constant 25 : i32
      %mul3A_58 = arith.muli %scan3A_29, %mul3A_57 : i32
      %add3A_59 = arith.constant 3 : i32
      %add3A_60 = arith.addi %mul3A_58, %add3A_59 : i32
      %dma_start3A_61 = arith.constant 0 : i32
      %dma_start3A_62 = tpu.memref_slice %arg4[%add3A_60, %dma_start3A_61] : memref<125x80xi32, #tpu.memory_space<vmem>> -> memref<1x80xi32, #tpu.memory_space<vmem>>
      %dma_start3A_63 = tpu.memref_squeeze %dma_start3A_62 : memref<1x80xi32, #tpu.memory_space<vmem>> -> memref<80xi32, #tpu.memory_space<vmem>>
      %dma_start3A_64 = arith.constant 0 : i32
      %dma_start3A_65 = tpu.memref_slice %arg7[%dma_start3A_64] : memref<10000xf32, #tpu.memory_space<vmem_shared>> -> memref<10000xf32, #tpu.memory_space<vmem_shared>>
      tpu.enqueue_indirect_dma source(%arg5 : memref<80xf32, #tpu.memory_space<vmem>>) target(%dma_start3A_65 : memref<10000xf32, #tpu.memory_space<vmem_shared>>) offsets(%dma_start3A_63 : memref<80xi32, #tpu.memory_space<vmem>>) semaphore(%arg8 : memref<!tpu.dma_semaphore, #tpu.memory_space<semaphore_mem>>) {add = true}
      %mul3A_66 = arith.constant 25 : i32
      %mul3A_67 = arith.muli %scan3A_29, %mul3A_66 : i32
      %add3A_68 = arith.constant 4 : i32
      %add3A_69 = arith.addi %mul3A_67, %add3A_68 : i32
      %dma_start3A_70 = arith.constant 0 : i32
      %dma_start3A_71 = tpu.memref_slice %arg4[%add3A_69, %dma_start3A_70] : memref<125x80xi32, #tpu.memory_space<vmem>> -> memref<1x80xi32, #tpu.memory_space<vmem>>
      %dma_start3A_72 = tpu.memref_squeeze %dma_start3A_71 : memref<1x80xi32, #tpu.memory_space<vmem>> -> memref<80xi32, #tpu.memory_space<vmem>>
      %dma_start3A_73 = arith.constant 0 : i32
      %dma_start3A_74 = tpu.memref_slice %arg7[%dma_start3A_73] : memref<10000xf32, #tpu.memory_space<vmem_shared>> -> memref<10000xf32, #tpu.memory_space<vmem_shared>>
      tpu.enqueue_indirect_dma source(%arg5 : memref<80xf32, #tpu.memory_space<vmem>>) target(%dma_start3A_74 : memref<10000xf32, #tpu.memory_space<vmem_shared>>) offsets(%dma_start3A_72 : memref<80xi32, #tpu.memory_space<vmem>>) semaphore(%arg8 : memref<!tpu.dma_semaphore, #tpu.memory_space<semaphore_mem>>) {add = true}
      %mul3A_75 = arith.constant 25 : i32
      %mul3A_76 = arith.muli %scan3A_29, %mul3A_75 : i32
      %add3A_77 = arith.constant 5 : i32
      %add3A_78 = arith.addi %mul3A_76, %add3A_77 : i32
      %dma_start3A_79 = arith.constant 0 : i32
      %dma_start3A_80 = tpu.memref_slice %arg4[%add3A_78, %dma_start3A_79] : memref<125x80xi32, #tpu.memory_space<vmem>> -> memref<1x80xi32, #tpu.memory_space<vmem>>
      %dma_start3A_81 = tpu.memref_squeeze %dma_start3A_80 : memref<1x80xi32, #tpu.memory_space<vmem>> -> memref<80xi32, #tpu.memory_space<vmem>>
      %dma_start3A_82 = arith.constant 0 : i32
      %dma_start3A_83 = tpu.memref_slice %arg7[%dma_start3A_82] : memref<10000xf32, #tpu.memory_space<vmem_shared>> -> memref<10000xf32, #tpu.memory_space<vmem_shared>>
      tpu.enqueue_indirect_dma source(%arg5 : memref<80xf32, #tpu.memory_space<vmem>>) target(%dma_start3A_83 : memref<10000xf32, #tpu.memory_space<vmem_shared>>) offsets(%dma_start3A_81 : memref<80xi32, #tpu.memory_space<vmem>>) semaphore(%arg8 : memref<!tpu.dma_semaphore, #tpu.memory_space<semaphore_mem>>) {add = true}
      %mul3A_84 = arith.constant 25 : i32
      %mul3A_85 = arith.muli %scan3A_29, %mul3A_84 : i32
      %add3A_86 = arith.constant 6 : i32
      %add3A_87 = arith.addi %mul3A_85, %add3A_86 : i32
      %dma_start3A_88 = arith.constant 0 : i32
      %dma_start3A_89 = tpu.memref_slice %arg4[%add3A_87, %dma_start3A_88] : memref<125x80xi32, #tpu.memory_space<vmem>> -> memref<1x80xi32, #tpu.memory_space<vmem>>
      %dma_start3A_90 = tpu.memref_squeeze %dma_start3A_89 : memref<1x80xi32, #tpu.memory_space<vmem>> -> memref<80xi32, #tpu.memory_space<vmem>>
      %dma_start3A_91 = arith.constant 0 : i32
      %dma_start3A_92 = tpu.memref_slice %arg7[%dma_start3A_91] : memref<10000xf32, #tpu.memory_space<vmem_shared>> -> memref<10000xf32, #tpu.memory_space<vmem_shared>>
      tpu.enqueue_indirect_dma source(%arg5 : memref<80xf32, #tpu.memory_space<vmem>>) target(%dma_start3A_92 : memref<10000xf32, #tpu.memory_space<vmem_shared>>) offsets(%dma_start3A_90 : memref<80xi32, #tpu.memory_space<vmem>>) semaphore(%arg8 : memref<!tpu.dma_semaphore, #tpu.memory_space<semaphore_mem>>) {add = true}
      %mul3A_93 = arith.constant 25 : i32
      %mul3A_94 = arith.muli %scan3A_29, %mul3A_93 : i32
      %add3A_95 = arith.constant 7 : i32
      %add3A_96 = arith.addi %mul3A_94, %add3A_95 : i32
      %dma_start3A_97 = arith.constant 0 : i32
      %dma_start3A_98 = tpu.memref_slice %arg4[%add3A_96, %dma_start3A_97] : memref<125x80xi32, #tpu.memory_space<vmem>> -> memref<1x80xi32, #tpu.memory_space<vmem>>
      %dma_start3A_99 = tpu.memref_squeeze %dma_start3A_98 : memref<1x80xi32, #tpu.memory_space<vmem>> -> memref<80xi32, #tpu.memory_space<vmem>>
      %dma_start3A_100 = arith.constant 0 : i32
      %dma_start3A_101 = tpu.memref_slice %arg7[%dma_start3A_100] : memref<10000xf32, #tpu.memory_space<vmem_shared>> -> memref<10000xf32, #tpu.memory_space<vmem_shared>>
      tpu.enqueue_indirect_dma source(%arg5 : memref<80xf32, #tpu.memory_space<vmem>>) target(%dma_start3A_101 : memref<10000xf32, #tpu.memory_space<vmem_shared>>) offsets(%dma_start3A_99 : memref<80xi32, #tpu.memory_space<vmem>>) semaphore(%arg8 : memref<!tpu.dma_semaphore, #tpu.memory_space<semaphore_mem>>) {add = true}
      %mul3A_102 = arith.constant 25 : i32
      %mul3A_103 = arith.muli %scan3A_29, %mul3A_102 : i32
      %add3A_104 = arith.constant 8 : i32
      %add3A_105 = arith.addi %mul3A_103, %add3A_104 : i32
      %dma_start3A_106 = arith.constant 0 : i32
      %dma_start3A_107 = tpu.memref_slice %arg4[%add3A_105, %dma_start3A_106] : memref<125x80xi32, #tpu.memory_space<vmem>> -> memref<1x80xi32, #tpu.memory_space<vmem>>
      %dma_start3A_108 = tpu.memref_squeeze %dma_start3A_107 : memref<1x80xi32, #tpu.memory_space<vmem>> -> memref<80xi32, #tpu.memory_space<vmem>>
      %dma_start3A_109 = arith.constant 0 : i32
      %dma_start3A_110 = tpu.memref_slice %arg7[%dma_start3A_109] : memref<10000xf32, #tpu.memory_space<vmem_shared>> -> memref<10000xf32, #tpu.memory_space<vmem_shared>>
      tpu.enqueue_indirect_dma source(%arg5 : memref<80xf32, #tpu.memory_space<vmem>>) target(%dma_start3A_110 : memref<10000xf32, #tpu.memory_space<vmem_shared>>) offsets(%dma_start3A_108 : memref<80xi32, #tpu.memory_space<vmem>>) semaphore(%arg8 : memref<!tpu.dma_semaphore, #tpu.memory_space<semaphore_mem>>) {add = true}
      %mul3A_111 = arith.constant 25 : i32
      %mul3A_112 = arith.muli %scan3A_29, %mul3A_111 : i32
      %add3A_113 = arith.constant 9 : i32
      %add3A_114 = arith.addi %mul3A_112, %add3A_113 : i32
      %dma_start3A_115 = arith.constant 0 : i32
      %dma_start3A_116 = tpu.memref_slice %arg4[%add3A_114, %dma_start3A_115] : memref<125x80xi32, #tpu.memory_space<vmem>> -> memref<1x80xi32, #tpu.memory_space<vmem>>
      %dma_start3A_117 = tpu.memref_squeeze %dma_start3A_116 : memref<1x80xi32, #tpu.memory_space<vmem>> -> memref<80xi32, #tpu.memory_space<vmem>>
      %dma_start3A_118 = arith.constant 0 : i32
      %dma_start3A_119 = tpu.memref_slice %arg7[%dma_start3A_118] : memref<10000xf32, #tpu.memory_space<vmem_shared>> -> memref<10000xf32, #tpu.memory_space<vmem_shared>>
      tpu.enqueue_indirect_dma source(%arg5 : memref<80xf32, #tpu.memory_space<vmem>>) target(%dma_start3A_119 : memref<10000xf32, #tpu.memory_space<vmem_shared>>) offsets(%dma_start3A_117 : memref<80xi32, #tpu.memory_space<vmem>>) semaphore(%arg8 : memref<!tpu.dma_semaphore, #tpu.memory_space<semaphore_mem>>) {add = true}
      %mul3A_120 = arith.constant 25 : i32
      %mul3A_121 = arith.muli %scan3A_29, %mul3A_120 : i32
      %add3A_122 = arith.constant 10 : i32
      %add3A_123 = arith.addi %mul3A_121, %add3A_122 : i32
      %dma_start3A_124 = arith.constant 0 : i32
      %dma_start3A_125 = tpu.memref_slice %arg4[%add3A_123, %dma_start3A_124] : memref<125x80xi32, #tpu.memory_space<vmem>> -> memref<1x80xi32, #tpu.memory_space<vmem>>
      %dma_start3A_126 = tpu.memref_squeeze %dma_start3A_125 : memref<1x80xi32, #tpu.memory_space<vmem>> -> memref<80xi32, #tpu.memory_space<vmem>>
      %dma_start3A_127 = arith.constant 0 : i32
      %dma_start3A_128 = tpu.memref_slice %arg7[%dma_start3A_127] : memref<10000xf32, #tpu.memory_space<vmem_shared>> -> memref<10000xf32, #tpu.memory_space<vmem_shared>>
      tpu.enqueue_indirect_dma source(%arg5 : memref<80xf32, #tpu.memory_space<vmem>>) target(%dma_start3A_128 : memref<10000xf32, #tpu.memory_space<vmem_shared>>) offsets(%dma_start3A_126 : memref<80xi32, #tpu.memory_space<vmem>>) semaphore(%arg8 : memref<!tpu.dma_semaphore, #tpu.memory_space<semaphore_mem>>) {add = true}
      %mul3A_129 = arith.constant 25 : i32
      %mul3A_130 = arith.muli %scan3A_29, %mul3A_129 : i32
      %add3A_131 = arith.constant 11 : i32
      %add3A_132 = arith.addi %mul3A_130, %add3A_131 : i32
      %dma_start3A_133 = arith.constant 0 : i32
      %dma_start3A_134 = tpu.memref_slice %arg4[%add3A_132, %dma_start3A_133] : memref<125x80xi32, #tpu.memory_space<vmem>> -> memref<1x80xi32, #tpu.memory_space<vmem>>
      %dma_start3A_135 = tpu.memref_squeeze %dma_start3A_134 : memref<1x80xi32, #tpu.memory_space<vmem>> -> memref<80xi32, #tpu.memory_space<vmem>>
      %dma_start3A_136 = arith.constant 0 : i32
      %dma_start3A_137 = tpu.memref_slice %arg7[%dma_start3A_136] : memref<10000xf32, #tpu.memory_space<vmem_shared>> -> memref<10000xf32, #tpu.memory_space<vmem_shared>>
      tpu.enqueue_indirect_dma source(%arg5 : memref<80xf32, #tpu.memory_space<vmem>>) target(%dma_start3A_137 : memref<10000xf32, #tpu.memory_space<vmem_shared>>) offsets(%dma_start3A_135 : memref<80xi32, #tpu.memory_space<vmem>>) semaphore(%arg8 : memref<!tpu.dma_semaphore, #tpu.memory_space<semaphore_mem>>) {add = true}
      %mul3A_138 = arith.constant 25 : i32
      %mul3A_139 = arith.muli %scan3A_29, %mul3A_138 : i32
      %add3A_140 = arith.constant 12 : i32
      %add3A_141 = arith.addi %mul3A_139, %add3A_140 : i32
      %dma_start3A_142 = arith.constant 0 : i32
      %dma_start3A_143 = tpu.memref_slice %arg4[%add3A_141, %dma_start3A_142] : memref<125x80xi32, #tpu.memory_space<vmem>> -> memref<1x80xi32, #tpu.memory_space<vmem>>
      %dma_start3A_144 = tpu.memref_squeeze %dma_start3A_143 : memref<1x80xi32, #tpu.memory_space<vmem>> -> memref<80xi32, #tpu.memory_space<vmem>>
      %dma_start3A_145 = arith.constant 0 : i32
      %dma_start3A_146 = tpu.memref_slice %arg7[%dma_start3A_145] : memref<10000xf32, #tpu.memory_space<vmem_shared>> -> memref<10000xf32, #tpu.memory_space<vmem_shared>>
      tpu.enqueue_indirect_dma source(%arg5 : memref<80xf32, #tpu.memory_space<vmem>>) target(%dma_start3A_146 : memref<10000xf32, #tpu.memory_space<vmem_shared>>) offsets(%dma_start3A_144 : memref<80xi32, #tpu.memory_space<vmem>>) semaphore(%arg8 : memref<!tpu.dma_semaphore, #tpu.memory_space<semaphore_mem>>) {add = true}
      %mul3A_147 = arith.constant 25 : i32
      %mul3A_148 = arith.muli %scan3A_29, %mul3A_147 : i32
      %add3A_149 = arith.constant 13 : i32
      %add3A_150 = arith.addi %mul3A_148, %add3A_149 : i32
      %dma_start3A_151 = arith.constant 0 : i32
      %dma_start3A_152 = tpu.memref_slice %arg4[%add3A_150, %dma_start3A_151] : memref<125x80xi32, #tpu.memory_space<vmem>> -> memref<1x80xi32, #tpu.memory_space<vmem>>
      %dma_start3A_153 = tpu.memref_squeeze %dma_start3A_152 : memref<1x80xi32, #tpu.memory_space<vmem>> -> memref<80xi32, #tpu.memory_space<vmem>>
      %dma_start3A_154 = arith.constant 0 : i32
      %dma_start3A_155 = tpu.memref_slice %arg7[%dma_start3A_154] : memref<10000xf32, #tpu.memory_space<vmem_shared>> -> memref<10000xf32, #tpu.memory_space<vmem_shared>>
      tpu.enqueue_indirect_dma source(%arg5 : memref<80xf32, #tpu.memory_space<vmem>>) target(%dma_start3A_155 : memref<10000xf32, #tpu.memory_space<vmem_shared>>) offsets(%dma_start3A_153 : memref<80xi32, #tpu.memory_space<vmem>>) semaphore(%arg8 : memref<!tpu.dma_semaphore, #tpu.memory_space<semaphore_mem>>) {add = true}
      %mul3A_156 = arith.constant 25 : i32
      %mul3A_157 = arith.muli %scan3A_29, %mul3A_156 : i32
      %add3A_158 = arith.constant 14 : i32
      %add3A_159 = arith.addi %mul3A_157, %add3A_158 : i32
      %dma_start3A_160 = arith.constant 0 : i32
      %dma_start3A_161 = tpu.memref_slice %arg4[%add3A_159, %dma_start3A_160] : memref<125x80xi32, #tpu.memory_space<vmem>> -> memref<1x80xi32, #tpu.memory_space<vmem>>
      %dma_start3A_162 = tpu.memref_squeeze %dma_start3A_161 : memref<1x80xi32, #tpu.memory_space<vmem>> -> memref<80xi32, #tpu.memory_space<vmem>>
      %dma_start3A_163 = arith.constant 0 : i32
      %dma_start3A_164 = tpu.memref_slice %arg7[%dma_start3A_163] : memref<10000xf32, #tpu.memory_space<vmem_shared>> -> memref<10000xf32, #tpu.memory_space<vmem_shared>>
      tpu.enqueue_indirect_dma source(%arg5 : memref<80xf32, #tpu.memory_space<vmem>>) target(%dma_start3A_164 : memref<10000xf32, #tpu.memory_space<vmem_shared>>) offsets(%dma_start3A_162 : memref<80xi32, #tpu.memory_space<vmem>>) semaphore(%arg8 : memref<!tpu.dma_semaphore, #tpu.memory_space<semaphore_mem>>) {add = true}
      %mul3A_165 = arith.constant 25 : i32
      %mul3A_166 = arith.muli %scan3A_29, %mul3A_165 : i32
      %add3A_167 = arith.constant 15 : i32
      %add3A_168 = arith.addi %mul3A_166, %add3A_167 : i32
      %dma_start3A_169 = arith.constant 0 : i32
      %dma_start3A_170 = tpu.memref_slice %arg4[%add3A_168, %dma_start3A_169] : memref<125x80xi32, #tpu.memory_space<vmem>> -> memref<1x80xi32, #tpu.memory_space<vmem>>
      %dma_start3A_171 = tpu.memref_squeeze %dma_start3A_170 : memref<1x80xi32, #tpu.memory_space<vmem>> -> memref<80xi32, #tpu.memory_space<vmem>>
      %dma_start3A_172 = arith.constant 0 : i32
      %dma_start3A_173 = tpu.memref_slice %arg7[%dma_start3A_172] : memref<10000xf32, #tpu.memory_space<vmem_shared>> -> memref<10000xf32, #tpu.memory_space<vmem_shared>>
      tpu.enqueue_indirect_dma source(%arg5 : memref<80xf32, #tpu.memory_space<vmem>>) target(%dma_start3A_173 : memref<10000xf32, #tpu.memory_space<vmem_shared>>) offsets(%dma_start3A_171 : memref<80xi32, #tpu.memory_space<vmem>>) semaphore(%arg8 : memref<!tpu.dma_semaphore, #tpu.memory_space<semaphore_mem>>) {add = true}
      %mul3A_174 = arith.constant 25 : i32
      %mul3A_175 = arith.muli %scan3A_29, %mul3A_174 : i32
      %add3A_176 = arith.constant 16 : i32
      %add3A_177 = arith.addi %mul3A_175, %add3A_176 : i32
      %dma_start3A_178 = arith.constant 0 : i32
      %dma_start3A_179 = tpu.memref_slice %arg4[%add3A_177, %dma_start3A_178] : memref<125x80xi32, #tpu.memory_space<vmem>> -> memref<1x80xi32, #tpu.memory_space<vmem>>
      %dma_start3A_180 = tpu.memref_squeeze %dma_start3A_179 : memref<1x80xi32, #tpu.memory_space<vmem>> -> memref<80xi32, #tpu.memory_space<vmem>>
      %dma_start3A_181 = arith.constant 0 : i32
      %dma_start3A_182 = tpu.memref_slice %arg7[%dma_start3A_181] : memref<10000xf32, #tpu.memory_space<vmem_shared>> -> memref<10000xf32, #tpu.memory_space<vmem_shared>>
      tpu.enqueue_indirect_dma source(%arg5 : memref<80xf32, #tpu.memory_space<vmem>>) target(%dma_start3A_182 : memref<10000xf32, #tpu.memory_space<vmem_shared>>) offsets(%dma_start3A_180 : memref<80xi32, #tpu.memory_space<vmem>>) semaphore(%arg8 : memref<!tpu.dma_semaphore, #tpu.memory_space<semaphore_mem>>) {add = true}
      %mul3A_183 = arith.constant 25 : i32
      %mul3A_184 = arith.muli %scan3A_29, %mul3A_183 : i32
      %add3A_185 = arith.constant 17 : i32
      %add3A_186 = arith.addi %mul3A_184, %add3A_185 : i32
      %dma_start3A_187 = arith.constant 0 : i32
      %dma_start3A_188 = tpu.memref_slice %arg4[%add3A_186, %dma_start3A_187] : memref<125x80xi32, #tpu.memory_space<vmem>> -> memref<1x80xi32, #tpu.memory_space<vmem>>
      %dma_start3A_189 = tpu.memref_squeeze %dma_start3A_188 : memref<1x80xi32, #tpu.memory_space<vmem>> -> memref<80xi32, #tpu.memory_space<vmem>>
      %dma_start3A_190 = arith.constant 0 : i32
      %dma_start3A_191 = tpu.memref_slice %arg7[%dma_start3A_190] : memref<10000xf32, #tpu.memory_space<vmem_shared>> -> memref<10000xf32, #tpu.memory_space<vmem_shared>>
      tpu.enqueue_indirect_dma source(%arg5 : memref<80xf32, #tpu.memory_space<vmem>>) target(%dma_start3A_191 : memref<10000xf32, #tpu.memory_space<vmem_shared>>) offsets(%dma_start3A_189 : memref<80xi32, #tpu.memory_space<vmem>>) semaphore(%arg8 : memref<!tpu.dma_semaphore, #tpu.memory_space<semaphore_mem>>) {add = true}
      %mul3A_192 = arith.constant 25 : i32
      %mul3A_193 = arith.muli %scan3A_29, %mul3A_192 : i32
      %add3A_194 = arith.constant 18 : i32
      %add3A_195 = arith.addi %mul3A_193, %add3A_194 : i32
      %dma_start3A_196 = arith.constant 0 : i32
      %dma_start3A_197 = tpu.memref_slice %arg4[%add3A_195, %dma_start3A_196] : memref<125x80xi32, #tpu.memory_space<vmem>> -> memref<1x80xi32, #tpu.memory_space<vmem>>
      %dma_start3A_198 = tpu.memref_squeeze %dma_start3A_197 : memref<1x80xi32, #tpu.memory_space<vmem>> -> memref<80xi32, #tpu.memory_space<vmem>>
      %dma_start3A_199 = arith.constant 0 : i32
      %dma_start3A_200 = tpu.memref_slice %arg7[%dma_start3A_199] : memref<10000xf32, #tpu.memory_space<vmem_shared>> -> memref<10000xf32, #tpu.memory_space<vmem_shared>>
      tpu.enqueue_indirect_dma source(%arg5 : memref<80xf32, #tpu.memory_space<vmem>>) target(%dma_start3A_200 : memref<10000xf32, #tpu.memory_space<vmem_shared>>) offsets(%dma_start3A_198 : memref<80xi32, #tpu.memory_space<vmem>>) semaphore(%arg8 : memref<!tpu.dma_semaphore, #tpu.memory_space<semaphore_mem>>) {add = true}
      %mul3A_201 = arith.constant 25 : i32
      %mul3A_202 = arith.muli %scan3A_29, %mul3A_201 : i32
      %add3A_203 = arith.constant 19 : i32
      %add3A_204 = arith.addi %mul3A_202, %add3A_203 : i32
      %dma_start3A_205 = arith.constant 0 : i32
      %dma_start3A_206 = tpu.memref_slice %arg4[%add3A_204, %dma_start3A_205] : memref<125x80xi32, #tpu.memory_space<vmem>> -> memref<1x80xi32, #tpu.memory_space<vmem>>
      %dma_start3A_207 = tpu.memref_squeeze %dma_start3A_206 : memref<1x80xi32, #tpu.memory_space<vmem>> -> memref<80xi32, #tpu.memory_space<vmem>>
      %dma_start3A_208 = arith.constant 0 : i32
      %dma_start3A_209 = tpu.memref_slice %arg7[%dma_start3A_208] : memref<10000xf32, #tpu.memory_space<vmem_shared>> -> memref<10000xf32, #tpu.memory_space<vmem_shared>>
      tpu.enqueue_indirect_dma source(%arg5 : memref<80xf32, #tpu.memory_space<vmem>>) target(%dma_start3A_209 : memref<10000xf32, #tpu.memory_space<vmem_shared>>) offsets(%dma_start3A_207 : memref<80xi32, #tpu.memory_space<vmem>>) semaphore(%arg8 : memref<!tpu.dma_semaphore, #tpu.memory_space<semaphore_mem>>) {add = true}
      %mul3A_210 = arith.constant 25 : i32
      %mul3A_211 = arith.muli %scan3A_29, %mul3A_210 : i32
      %add3A_212 = arith.constant 20 : i32
      %add3A_213 = arith.addi %mul3A_211, %add3A_212 : i32
      %dma_start3A_214 = arith.constant 0 : i32
      %dma_start3A_215 = tpu.memref_slice %arg4[%add3A_213, %dma_start3A_214] : memref<125x80xi32, #tpu.memory_space<vmem>> -> memref<1x80xi32, #tpu.memory_space<vmem>>
      %dma_start3A_216 = tpu.memref_squeeze %dma_start3A_215 : memref<1x80xi32, #tpu.memory_space<vmem>> -> memref<80xi32, #tpu.memory_space<vmem>>
      %dma_start3A_217 = arith.constant 0 : i32
      %dma_start3A_218 = tpu.memref_slice %arg7[%dma_start3A_217] : memref<10000xf32, #tpu.memory_space<vmem_shared>> -> memref<10000xf32, #tpu.memory_space<vmem_shared>>
      tpu.enqueue_indirect_dma source(%arg5 : memref<80xf32, #tpu.memory_space<vmem>>) target(%dma_start3A_218 : memref<10000xf32, #tpu.memory_space<vmem_shared>>) offsets(%dma_start3A_216 : memref<80xi32, #tpu.memory_space<vmem>>) semaphore(%arg8 : memref<!tpu.dma_semaphore, #tpu.memory_space<semaphore_mem>>) {add = true}
      %mul3A_219 = arith.constant 25 : i32
      %mul3A_220 = arith.muli %scan3A_29, %mul3A_219 : i32
      %add3A_221 = arith.constant 21 : i32
      %add3A_222 = arith.addi %mul3A_220, %add3A_221 : i32
      %dma_start3A_223 = arith.constant 0 : i32
      %dma_start3A_224 = tpu.memref_slice %arg4[%add3A_222, %dma_start3A_223] : memref<125x80xi32, #tpu.memory_space<vmem>> -> memref<1x80xi32, #tpu.memory_space<vmem>>
      %dma_start3A_225 = tpu.memref_squeeze %dma_start3A_224 : memref<1x80xi32, #tpu.memory_space<vmem>> -> memref<80xi32, #tpu.memory_space<vmem>>
      %dma_start3A_226 = arith.constant 0 : i32
      %dma_start3A_227 = tpu.memref_slice %arg7[%dma_start3A_226] : memref<10000xf32, #tpu.memory_space<vmem_shared>> -> memref<10000xf32, #tpu.memory_space<vmem_shared>>
      tpu.enqueue_indirect_dma source(%arg5 : memref<80xf32, #tpu.memory_space<vmem>>) target(%dma_start3A_227 : memref<10000xf32, #tpu.memory_space<vmem_shared>>) offsets(%dma_start3A_225 : memref<80xi32, #tpu.memory_space<vmem>>) semaphore(%arg8 : memref<!tpu.dma_semaphore, #tpu.memory_space<semaphore_mem>>) {add = true}
      %mul3A_228 = arith.constant 25 : i32
      %mul3A_229 = arith.muli %scan3A_29, %mul3A_228 : i32
      %add3A_230 = arith.constant 22 : i32
      %add3A_231 = arith.addi %mul3A_229, %add3A_230 : i32
      %dma_start3A_232 = arith.constant 0 : i32
      %dma_start3A_233 = tpu.memref_slice %arg4[%add3A_231, %dma_start3A_232] : memref<125x80xi32, #tpu.memory_space<vmem>> -> memref<1x80xi32, #tpu.memory_space<vmem>>
      %dma_start3A_234 = tpu.memref_squeeze %dma_start3A_233 : memref<1x80xi32, #tpu.memory_space<vmem>> -> memref<80xi32, #tpu.memory_space<vmem>>
      %dma_start3A_235 = arith.constant 0 : i32
      %dma_start3A_236 = tpu.memref_slice %arg7[%dma_start3A_235] : memref<10000xf32, #tpu.memory_space<vmem_shared>> -> memref<10000xf32, #tpu.memory_space<vmem_shared>>
      tpu.enqueue_indirect_dma source(%arg5 : memref<80xf32, #tpu.memory_space<vmem>>) target(%dma_start3A_236 : memref<10000xf32, #tpu.memory_space<vmem_shared>>) offsets(%dma_start3A_234 : memref<80xi32, #tpu.memory_space<vmem>>) semaphore(%arg8 : memref<!tpu.dma_semaphore, #tpu.memory_space<semaphore_mem>>) {add = true}
      %mul3A_237 = arith.constant 25 : i32
      %mul3A_238 = arith.muli %scan3A_29, %mul3A_237 : i32
      %add3A_239 = arith.constant 23 : i32
      %add3A_240 = arith.addi %mul3A_238, %add3A_239 : i32
      %dma_start3A_241 = arith.constant 0 : i32
      %dma_start3A_242 = tpu.memref_slice %arg4[%add3A_240, %dma_start3A_241] : memref<125x80xi32, #tpu.memory_space<vmem>> -> memref<1x80xi32, #tpu.memory_space<vmem>>
      %dma_start3A_243 = tpu.memref_squeeze %dma_start3A_242 : memref<1x80xi32, #tpu.memory_space<vmem>> -> memref<80xi32, #tpu.memory_space<vmem>>
      %dma_start3A_244 = arith.constant 0 : i32
      %dma_start3A_245 = tpu.memref_slice %arg7[%dma_start3A_244] : memref<10000xf32, #tpu.memory_space<vmem_shared>> -> memref<10000xf32, #tpu.memory_space<vmem_shared>>
      tpu.enqueue_indirect_dma source(%arg5 : memref<80xf32, #tpu.memory_space<vmem>>) target(%dma_start3A_245 : memref<10000xf32, #tpu.memory_space<vmem_shared>>) offsets(%dma_start3A_243 : memref<80xi32, #tpu.memory_space<vmem>>) semaphore(%arg8 : memref<!tpu.dma_semaphore, #tpu.memory_space<semaphore_mem>>) {add = true}
      %mul3A_246 = arith.constant 25 : i32
      %mul3A_247 = arith.muli %scan3A_29, %mul3A_246 : i32
      %add3A_248 = arith.constant 24 : i32
      %add3A_249 = arith.addi %mul3A_247, %add3A_248 : i32
      %dma_start3A_250 = arith.constant 0 : i32
      %dma_start3A_251 = tpu.memref_slice %arg4[%add3A_249, %dma_start3A_250] : memref<125x80xi32, #tpu.memory_space<vmem>> -> memref<1x80xi32, #tpu.memory_space<vmem>>
      %dma_start3A_252 = tpu.memref_squeeze %dma_start3A_251 : memref<1x80xi32, #tpu.memory_space<vmem>> -> memref<80xi32, #tpu.memory_space<vmem>>
      %dma_start3A_253 = arith.constant 0 : i32
      %dma_start3A_254 = tpu.memref_slice %arg7[%dma_start3A_253] : memref<10000xf32, #tpu.memory_space<vmem_shared>> -> memref<10000xf32, #tpu.memory_space<vmem_shared>>
      tpu.enqueue_indirect_dma source(%arg5 : memref<80xf32, #tpu.memory_space<vmem>>) target(%dma_start3A_254 : memref<10000xf32, #tpu.memory_space<vmem_shared>>) offsets(%dma_start3A_252 : memref<80xi32, #tpu.memory_space<vmem>>) semaphore(%arg8 : memref<!tpu.dma_semaphore, #tpu.memory_space<semaphore_mem>>) {add = true}
      %mul3A_255 = arith.constant 25 : i32
      %mul3A_256 = arith.muli %scan3A_29, %mul3A_255 : i32
      %add3A_257 = arith.constant 0 : i32
      %add3A_258 = arith.addi %mul3A_256, %add3A_257 : i32
      %dma_wait3A = arith.constant 0 : i32
      %dma_wait3A_259 = tpu.memref_slice %arg4[%add3A_258, %dma_wait3A] : memref<125x80xi32, #tpu.memory_space<vmem>> -> memref<1x80xi32, #tpu.memory_space<vmem>>
      %dma_wait3A_260 = tpu.memref_squeeze %dma_wait3A_259 : memref<1x80xi32, #tpu.memory_space<vmem>> -> memref<80xi32, #tpu.memory_space<vmem>>
      %dma_wait3A_261 = arith.constant 0 : i32
      %dma_wait3A_262 = tpu.memref_slice %arg7[%dma_wait3A_261] : memref<10000xf32, #tpu.memory_space<vmem_shared>> -> memref<10000xf32, #tpu.memory_space<vmem_shared>>
      tpu.wait_indirect_dma semaphore(%arg8 : memref<!tpu.dma_semaphore, #tpu.memory_space<semaphore_mem>>) src(%arg5 : memref<80xf32, #tpu.memory_space<vmem>>) dst(%dma_wait3A_262 : memref<10000xf32, #tpu.memory_space<vmem_shared>>)
      %mul3A_263 = arith.constant 25 : i32
      %mul3A_264 = arith.muli %scan3A_29, %mul3A_263 : i32
      %add3A_265 = arith.constant 1 : i32
      %add3A_266 = arith.addi %mul3A_264, %add3A_265 : i32
      %dma_wait3A_267 = arith.constant 0 : i32
      %dma_wait3A_268 = tpu.memref_slice %arg4[%add3A_266, %dma_wait3A_267] : memref<125x80xi32, #tpu.memory_space<vmem>> -> memref<1x80xi32, #tpu.memory_space<vmem>>
      %dma_wait3A_269 = tpu.memref_squeeze %dma_wait3A_268 : memref<1x80xi32, #tpu.memory_space<vmem>> -> memref<80xi32, #tpu.memory_space<vmem>>
      %dma_wait3A_270 = arith.constant 0 : i32
      %dma_wait3A_271 = tpu.memref_slice %arg7[%dma_wait3A_270] : memref<10000xf32, #tpu.memory_space<vmem_shared>> -> memref<10000xf32, #tpu.memory_space<vmem_shared>>
      tpu.wait_indirect_dma semaphore(%arg8 : memref<!tpu.dma_semaphore, #tpu.memory_space<semaphore_mem>>) src(%arg5 : memref<80xf32, #tpu.memory_space<vmem>>) dst(%dma_wait3A_271 : memref<10000xf32, #tpu.memory_space<vmem_shared>>)
      %mul3A_272 = arith.constant 25 : i32
      %mul3A_273 = arith.muli %scan3A_29, %mul3A_272 : i32
      %add3A_274 = arith.constant 2 : i32
      %add3A_275 = arith.addi %mul3A_273, %add3A_274 : i32
      %dma_wait3A_276 = arith.constant 0 : i32
      %dma_wait3A_277 = tpu.memref_slice %arg4[%add3A_275, %dma_wait3A_276] : memref<125x80xi32, #tpu.memory_space<vmem>> -> memref<1x80xi32, #tpu.memory_space<vmem>>
      %dma_wait3A_278 = tpu.memref_squeeze %dma_wait3A_277 : memref<1x80xi32, #tpu.memory_space<vmem>> -> memref<80xi32, #tpu.memory_space<vmem>>
      %dma_wait3A_279 = arith.constant 0 : i32
      %dma_wait3A_280 = tpu.memref_slice %arg7[%dma_wait3A_279] : memref<10000xf32, #tpu.memory_space<vmem_shared>> -> memref<10000xf32, #tpu.memory_space<vmem_shared>>
      tpu.wait_indirect_dma semaphore(%arg8 : memref<!tpu.dma_semaphore, #tpu.memory_space<semaphore_mem>>) src(%arg5 : memref<80xf32, #tpu.memory_space<vmem>>) dst(%dma_wait3A_280 : memref<10000xf32, #tpu.memory_space<vmem_shared>>)
      %mul3A_281 = arith.constant 25 : i32
      %mul3A_282 = arith.muli %scan3A_29, %mul3A_281 : i32
      %add3A_283 = arith.constant 3 : i32
      %add3A_284 = arith.addi %mul3A_282, %add3A_283 : i32
      %dma_wait3A_285 = arith.constant 0 : i32
      %dma_wait3A_286 = tpu.memref_slice %arg4[%add3A_284, %dma_wait3A_285] : memref<125x80xi32, #tpu.memory_space<vmem>> -> memref<1x80xi32, #tpu.memory_space<vmem>>
      %dma_wait3A_287 = tpu.memref_squeeze %dma_wait3A_286 : memref<1x80xi32, #tpu.memory_space<vmem>> -> memref<80xi32, #tpu.memory_space<vmem>>
      %dma_wait3A_288 = arith.constant 0 : i32
      %dma_wait3A_289 = tpu.memref_slice %arg7[%dma_wait3A_288] : memref<10000xf32, #tpu.memory_space<vmem_shared>> -> memref<10000xf32, #tpu.memory_space<vmem_shared>>
      tpu.wait_indirect_dma semaphore(%arg8 : memref<!tpu.dma_semaphore, #tpu.memory_space<semaphore_mem>>) src(%arg5 : memref<80xf32, #tpu.memory_space<vmem>>) dst(%dma_wait3A_289 : memref<10000xf32, #tpu.memory_space<vmem_shared>>)
      %mul3A_290 = arith.constant 25 : i32
      %mul3A_291 = arith.muli %scan3A_29, %mul3A_290 : i32
      %add3A_292 = arith.constant 4 : i32
      %add3A_293 = arith.addi %mul3A_291, %add3A_292 : i32
      %dma_wait3A_294 = arith.constant 0 : i32
      %dma_wait3A_295 = tpu.memref_slice %arg4[%add3A_293, %dma_wait3A_294] : memref<125x80xi32, #tpu.memory_space<vmem>> -> memref<1x80xi32, #tpu.memory_space<vmem>>
      %dma_wait3A_296 = tpu.memref_squeeze %dma_wait3A_295 : memref<1x80xi32, #tpu.memory_space<vmem>> -> memref<80xi32, #tpu.memory_space<vmem>>
      %dma_wait3A_297 = arith.constant 0 : i32
      %dma_wait3A_298 = tpu.memref_slice %arg7[%dma_wait3A_297] : memref<10000xf32, #tpu.memory_space<vmem_shared>> -> memref<10000xf32, #tpu.memory_space<vmem_shared>>
      tpu.wait_indirect_dma semaphore(%arg8 : memref<!tpu.dma_semaphore, #tpu.memory_space<semaphore_mem>>) src(%arg5 : memref<80xf32, #tpu.memory_space<vmem>>) dst(%dma_wait3A_298 : memref<10000xf32, #tpu.memory_space<vmem_shared>>)
      %mul3A_299 = arith.constant 25 : i32
      %mul3A_300 = arith.muli %scan3A_29, %mul3A_299 : i32
      %add3A_301 = arith.constant 5 : i32
      %add3A_302 = arith.addi %mul3A_300, %add3A_301 : i32
      %dma_wait3A_303 = arith.constant 0 : i32
      %dma_wait3A_304 = tpu.memref_slice %arg4[%add3A_302, %dma_wait3A_303] : memref<125x80xi32, #tpu.memory_space<vmem>> -> memref<1x80xi32, #tpu.memory_space<vmem>>
      %dma_wait3A_305 = tpu.memref_squeeze %dma_wait3A_304 : memref<1x80xi32, #tpu.memory_space<vmem>> -> memref<80xi32, #tpu.memory_space<vmem>>
      %dma_wait3A_306 = arith.constant 0 : i32
      %dma_wait3A_307 = tpu.memref_slice %arg7[%dma_wait3A_306] : memref<10000xf32, #tpu.memory_space<vmem_shared>> -> memref<10000xf32, #tpu.memory_space<vmem_shared>>
      tpu.wait_indirect_dma semaphore(%arg8 : memref<!tpu.dma_semaphore, #tpu.memory_space<semaphore_mem>>) src(%arg5 : memref<80xf32, #tpu.memory_space<vmem>>) dst(%dma_wait3A_307 : memref<10000xf32, #tpu.memory_space<vmem_shared>>)
      %mul3A_308 = arith.constant 25 : i32
      %mul3A_309 = arith.muli %scan3A_29, %mul3A_308 : i32
      %add3A_310 = arith.constant 6 : i32
      %add3A_311 = arith.addi %mul3A_309, %add3A_310 : i32
      %dma_wait3A_312 = arith.constant 0 : i32
      %dma_wait3A_313 = tpu.memref_slice %arg4[%add3A_311, %dma_wait3A_312] : memref<125x80xi32, #tpu.memory_space<vmem>> -> memref<1x80xi32, #tpu.memory_space<vmem>>
      %dma_wait3A_314 = tpu.memref_squeeze %dma_wait3A_313 : memref<1x80xi32, #tpu.memory_space<vmem>> -> memref<80xi32, #tpu.memory_space<vmem>>
      %dma_wait3A_315 = arith.constant 0 : i32
      %dma_wait3A_316 = tpu.memref_slice %arg7[%dma_wait3A_315] : memref<10000xf32, #tpu.memory_space<vmem_shared>> -> memref<10000xf32, #tpu.memory_space<vmem_shared>>
      tpu.wait_indirect_dma semaphore(%arg8 : memref<!tpu.dma_semaphore, #tpu.memory_space<semaphore_mem>>) src(%arg5 : memref<80xf32, #tpu.memory_space<vmem>>) dst(%dma_wait3A_316 : memref<10000xf32, #tpu.memory_space<vmem_shared>>)
      %mul3A_317 = arith.constant 25 : i32
      %mul3A_318 = arith.muli %scan3A_29, %mul3A_317 : i32
      %add3A_319 = arith.constant 7 : i32
      %add3A_320 = arith.addi %mul3A_318, %add3A_319 : i32
      %dma_wait3A_321 = arith.constant 0 : i32
      %dma_wait3A_322 = tpu.memref_slice %arg4[%add3A_320, %dma_wait3A_321] : memref<125x80xi32, #tpu.memory_space<vmem>> -> memref<1x80xi32, #tpu.memory_space<vmem>>
      %dma_wait3A_323 = tpu.memref_squeeze %dma_wait3A_322 : memref<1x80xi32, #tpu.memory_space<vmem>> -> memref<80xi32, #tpu.memory_space<vmem>>
      %dma_wait3A_324 = arith.constant 0 : i32
      %dma_wait3A_325 = tpu.memref_slice %arg7[%dma_wait3A_324] : memref<10000xf32, #tpu.memory_space<vmem_shared>> -> memref<10000xf32, #tpu.memory_space<vmem_shared>>
      tpu.wait_indirect_dma semaphore(%arg8 : memref<!tpu.dma_semaphore, #tpu.memory_space<semaphore_mem>>) src(%arg5 : memref<80xf32, #tpu.memory_space<vmem>>) dst(%dma_wait3A_325 : memref<10000xf32, #tpu.memory_space<vmem_shared>>)
      %mul3A_326 = arith.constant 25 : i32
      %mul3A_327 = arith.muli %scan3A_29, %mul3A_326 : i32
      %add3A_328 = arith.constant 8 : i32
      %add3A_329 = arith.addi %mul3A_327, %add3A_328 : i32
      %dma_wait3A_330 = arith.constant 0 : i32
      %dma_wait3A_331 = tpu.memref_slice %arg4[%add3A_329, %dma_wait3A_330] : memref<125x80xi32, #tpu.memory_space<vmem>> -> memref<1x80xi32, #tpu.memory_space<vmem>>
      %dma_wait3A_332 = tpu.memref_squeeze %dma_wait3A_331 : memref<1x80xi32, #tpu.memory_space<vmem>> -> memref<80xi32, #tpu.memory_space<vmem>>
      %dma_wait3A_333 = arith.constant 0 : i32
      %dma_wait3A_334 = tpu.memref_slice %arg7[%dma_wait3A_333] : memref<10000xf32, #tpu.memory_space<vmem_shared>> -> memref<10000xf32, #tpu.memory_space<vmem_shared>>
      tpu.wait_indirect_dma semaphore(%arg8 : memref<!tpu.dma_semaphore, #tpu.memory_space<semaphore_mem>>) src(%arg5 : memref<80xf32, #tpu.memory_space<vmem>>) dst(%dma_wait3A_334 : memref<10000xf32, #tpu.memory_space<vmem_shared>>)
      %mul3A_335 = arith.constant 25 : i32
      %mul3A_336 = arith.muli %scan3A_29, %mul3A_335 : i32
      %add3A_337 = arith.constant 9 : i32
      %add3A_338 = arith.addi %mul3A_336, %add3A_337 : i32
      %dma_wait3A_339 = arith.constant 0 : i32
      %dma_wait3A_340 = tpu.memref_slice %arg4[%add3A_338, %dma_wait3A_339] : memref<125x80xi32, #tpu.memory_space<vmem>> -> memref<1x80xi32, #tpu.memory_space<vmem>>
      %dma_wait3A_341 = tpu.memref_squeeze %dma_wait3A_340 : memref<1x80xi32, #tpu.memory_space<vmem>> -> memref<80xi32, #tpu.memory_space<vmem>>
      %dma_wait3A_342 = arith.constant 0 : i32
      %dma_wait3A_343 = tpu.memref_slice %arg7[%dma_wait3A_342] : memref<10000xf32, #tpu.memory_space<vmem_shared>> -> memref<10000xf32, #tpu.memory_space<vmem_shared>>
      tpu.wait_indirect_dma semaphore(%arg8 : memref<!tpu.dma_semaphore, #tpu.memory_space<semaphore_mem>>) src(%arg5 : memref<80xf32, #tpu.memory_space<vmem>>) dst(%dma_wait3A_343 : memref<10000xf32, #tpu.memory_space<vmem_shared>>)
      %mul3A_344 = arith.constant 25 : i32
      %mul3A_345 = arith.muli %scan3A_29, %mul3A_344 : i32
      %add3A_346 = arith.constant 10 : i32
      %add3A_347 = arith.addi %mul3A_345, %add3A_346 : i32
      %dma_wait3A_348 = arith.constant 0 : i32
      %dma_wait3A_349 = tpu.memref_slice %arg4[%add3A_347, %dma_wait3A_348] : memref<125x80xi32, #tpu.memory_space<vmem>> -> memref<1x80xi32, #tpu.memory_space<vmem>>
      %dma_wait3A_350 = tpu.memref_squeeze %dma_wait3A_349 : memref<1x80xi32, #tpu.memory_space<vmem>> -> memref<80xi32, #tpu.memory_space<vmem>>
      %dma_wait3A_351 = arith.constant 0 : i32
      %dma_wait3A_352 = tpu.memref_slice %arg7[%dma_wait3A_351] : memref<10000xf32, #tpu.memory_space<vmem_shared>> -> memref<10000xf32, #tpu.memory_space<vmem_shared>>
      tpu.wait_indirect_dma semaphore(%arg8 : memref<!tpu.dma_semaphore, #tpu.memory_space<semaphore_mem>>) src(%arg5 : memref<80xf32, #tpu.memory_space<vmem>>) dst(%dma_wait3A_352 : memref<10000xf32, #tpu.memory_space<vmem_shared>>)
      %mul3A_353 = arith.constant 25 : i32
      %mul3A_354 = arith.muli %scan3A_29, %mul3A_353 : i32
      %add3A_355 = arith.constant 11 : i32
      %add3A_356 = arith.addi %mul3A_354, %add3A_355 : i32
      %dma_wait3A_357 = arith.constant 0 : i32
      %dma_wait3A_358 = tpu.memref_slice %arg4[%add3A_356, %dma_wait3A_357] : memref<125x80xi32, #tpu.memory_space<vmem>> -> memref<1x80xi32, #tpu.memory_space<vmem>>
      %dma_wait3A_359 = tpu.memref_squeeze %dma_wait3A_358 : memref<1x80xi32, #tpu.memory_space<vmem>> -> memref<80xi32, #tpu.memory_space<vmem>>
      %dma_wait3A_360 = arith.constant 0 : i32
      %dma_wait3A_361 = tpu.memref_slice %arg7[%dma_wait3A_360] : memref<10000xf32, #tpu.memory_space<vmem_shared>> -> memref<10000xf32, #tpu.memory_space<vmem_shared>>
      tpu.wait_indirect_dma semaphore(%arg8 : memref<!tpu.dma_semaphore, #tpu.memory_space<semaphore_mem>>) src(%arg5 : memref<80xf32, #tpu.memory_space<vmem>>) dst(%dma_wait3A_361 : memref<10000xf32, #tpu.memory_space<vmem_shared>>)
      %mul3A_362 = arith.constant 25 : i32
      %mul3A_363 = arith.muli %scan3A_29, %mul3A_362 : i32
      %add3A_364 = arith.constant 12 : i32
      %add3A_365 = arith.addi %mul3A_363, %add3A_364 : i32
      %dma_wait3A_366 = arith.constant 0 : i32
      %dma_wait3A_367 = tpu.memref_slice %arg4[%add3A_365, %dma_wait3A_366] : memref<125x80xi32, #tpu.memory_space<vmem>> -> memref<1x80xi32, #tpu.memory_space<vmem>>
      %dma_wait3A_368 = tpu.memref_squeeze %dma_wait3A_367 : memref<1x80xi32, #tpu.memory_space<vmem>> -> memref<80xi32, #tpu.memory_space<vmem>>
      %dma_wait3A_369 = arith.constant 0 : i32
      %dma_wait3A_370 = tpu.memref_slice %arg7[%dma_wait3A_369] : memref<10000xf32, #tpu.memory_space<vmem_shared>> -> memref<10000xf32, #tpu.memory_space<vmem_shared>>
      tpu.wait_indirect_dma semaphore(%arg8 : memref<!tpu.dma_semaphore, #tpu.memory_space<semaphore_mem>>) src(%arg5 : memref<80xf32, #tpu.memory_space<vmem>>) dst(%dma_wait3A_370 : memref<10000xf32, #tpu.memory_space<vmem_shared>>)
      %mul3A_371 = arith.constant 25 : i32
      %mul3A_372 = arith.muli %scan3A_29, %mul3A_371 : i32
      %add3A_373 = arith.constant 13 : i32
      %add3A_374 = arith.addi %mul3A_372, %add3A_373 : i32
      %dma_wait3A_375 = arith.constant 0 : i32
      %dma_wait3A_376 = tpu.memref_slice %arg4[%add3A_374, %dma_wait3A_375] : memref<125x80xi32, #tpu.memory_space<vmem>> -> memref<1x80xi32, #tpu.memory_space<vmem>>
      %dma_wait3A_377 = tpu.memref_squeeze %dma_wait3A_376 : memref<1x80xi32, #tpu.memory_space<vmem>> -> memref<80xi32, #tpu.memory_space<vmem>>
      %dma_wait3A_378 = arith.constant 0 : i32
      %dma_wait3A_379 = tpu.memref_slice %arg7[%dma_wait3A_378] : memref<10000xf32, #tpu.memory_space<vmem_shared>> -> memref<10000xf32, #tpu.memory_space<vmem_shared>>
      tpu.wait_indirect_dma semaphore(%arg8 : memref<!tpu.dma_semaphore, #tpu.memory_space<semaphore_mem>>) src(%arg5 : memref<80xf32, #tpu.memory_space<vmem>>) dst(%dma_wait3A_379 : memref<10000xf32, #tpu.memory_space<vmem_shared>>)
      %mul3A_380 = arith.constant 25 : i32
      %mul3A_381 = arith.muli %scan3A_29, %mul3A_380 : i32
      %add3A_382 = arith.constant 14 : i32
      %add3A_383 = arith.addi %mul3A_381, %add3A_382 : i32
      %dma_wait3A_384 = arith.constant 0 : i32
      %dma_wait3A_385 = tpu.memref_slice %arg4[%add3A_383, %dma_wait3A_384] : memref<125x80xi32, #tpu.memory_space<vmem>> -> memref<1x80xi32, #tpu.memory_space<vmem>>
      %dma_wait3A_386 = tpu.memref_squeeze %dma_wait3A_385 : memref<1x80xi32, #tpu.memory_space<vmem>> -> memref<80xi32, #tpu.memory_space<vmem>>
      %dma_wait3A_387 = arith.constant 0 : i32
      %dma_wait3A_388 = tpu.memref_slice %arg7[%dma_wait3A_387] : memref<10000xf32, #tpu.memory_space<vmem_shared>> -> memref<10000xf32, #tpu.memory_space<vmem_shared>>
      tpu.wait_indirect_dma semaphore(%arg8 : memref<!tpu.dma_semaphore, #tpu.memory_space<semaphore_mem>>) src(%arg5 : memref<80xf32, #tpu.memory_space<vmem>>) dst(%dma_wait3A_388 : memref<10000xf32, #tpu.memory_space<vmem_shared>>)
      %mul3A_389 = arith.constant 25 : i32
      %mul3A_390 = arith.muli %scan3A_29, %mul3A_389 : i32
      %add3A_391 = arith.constant 15 : i32
      %add3A_392 = arith.addi %mul3A_390, %add3A_391 : i32
      %dma_wait3A_393 = arith.constant 0 : i32
      %dma_wait3A_394 = tpu.memref_slice %arg4[%add3A_392, %dma_wait3A_393] : memref<125x80xi32, #tpu.memory_space<vmem>> -> memref<1x80xi32, #tpu.memory_space<vmem>>
      %dma_wait3A_395 = tpu.memref_squeeze %dma_wait3A_394 : memref<1x80xi32, #tpu.memory_space<vmem>> -> memref<80xi32, #tpu.memory_space<vmem>>
      %dma_wait3A_396 = arith.constant 0 : i32
      %dma_wait3A_397 = tpu.memref_slice %arg7[%dma_wait3A_396] : memref<10000xf32, #tpu.memory_space<vmem_shared>> -> memref<10000xf32, #tpu.memory_space<vmem_shared>>
      tpu.wait_indirect_dma semaphore(%arg8 : memref<!tpu.dma_semaphore, #tpu.memory_space<semaphore_mem>>) src(%arg5 : memref<80xf32, #tpu.memory_space<vmem>>) dst(%dma_wait3A_397 : memref<10000xf32, #tpu.memory_space<vmem_shared>>)
      %mul3A_398 = arith.constant 25 : i32
      %mul3A_399 = arith.muli %scan3A_29, %mul3A_398 : i32
      %add3A_400 = arith.constant 16 : i32
      %add3A_401 = arith.addi %mul3A_399, %add3A_400 : i32
      %dma_wait3A_402 = arith.constant 0 : i32
      %dma_wait3A_403 = tpu.memref_slice %arg4[%add3A_401, %dma_wait3A_402] : memref<125x80xi32, #tpu.memory_space<vmem>> -> memref<1x80xi32, #tpu.memory_space<vmem>>
      %dma_wait3A_404 = tpu.memref_squeeze %dma_wait3A_403 : memref<1x80xi32, #tpu.memory_space<vmem>> -> memref<80xi32, #tpu.memory_space<vmem>>
      %dma_wait3A_405 = arith.constant 0 : i32
      %dma_wait3A_406 = tpu.memref_slice %arg7[%dma_wait3A_405] : memref<10000xf32, #tpu.memory_space<vmem_shared>> -> memref<10000xf32, #tpu.memory_space<vmem_shared>>
      tpu.wait_indirect_dma semaphore(%arg8 : memref<!tpu.dma_semaphore, #tpu.memory_space<semaphore_mem>>) src(%arg5 : memref<80xf32, #tpu.memory_space<vmem>>) dst(%dma_wait3A_406 : memref<10000xf32, #tpu.memory_space<vmem_shared>>)
      %mul3A_407 = arith.constant 25 : i32
      %mul3A_408 = arith.muli %scan3A_29, %mul3A_407 : i32
      %add3A_409 = arith.constant 17 : i32
      %add3A_410 = arith.addi %mul3A_408, %add3A_409 : i32
      %dma_wait3A_411 = arith.constant 0 : i32
      %dma_wait3A_412 = tpu.memref_slice %arg4[%add3A_410, %dma_wait3A_411] : memref<125x80xi32, #tpu.memory_space<vmem>> -> memref<1x80xi32, #tpu.memory_space<vmem>>
      %dma_wait3A_413 = tpu.memref_squeeze %dma_wait3A_412 : memref<1x80xi32, #tpu.memory_space<vmem>> -> memref<80xi32, #tpu.memory_space<vmem>>
      %dma_wait3A_414 = arith.constant 0 : i32
      %dma_wait3A_415 = tpu.memref_slice %arg7[%dma_wait3A_414] : memref<10000xf32, #tpu.memory_space<vmem_shared>> -> memref<10000xf32, #tpu.memory_space<vmem_shared>>
      tpu.wait_indirect_dma semaphore(%arg8 : memref<!tpu.dma_semaphore, #tpu.memory_space<semaphore_mem>>) src(%arg5 : memref<80xf32, #tpu.memory_space<vmem>>) dst(%dma_wait3A_415 : memref<10000xf32, #tpu.memory_space<vmem_shared>>)
      %mul3A_416 = arith.constant 25 : i32
      %mul3A_417 = arith.muli %scan3A_29, %mul3A_416 : i32
      %add3A_418 = arith.constant 18 : i32
      %add3A_419 = arith.addi %mul3A_417, %add3A_418 : i32
      %dma_wait3A_420 = arith.constant 0 : i32
      %dma_wait3A_421 = tpu.memref_slice %arg4[%add3A_419, %dma_wait3A_420] : memref<125x80xi32, #tpu.memory_space<vmem>> -> memref<1x80xi32, #tpu.memory_space<vmem>>
      %dma_wait3A_422 = tpu.memref_squeeze %dma_wait3A_421 : memref<1x80xi32, #tpu.memory_space<vmem>> -> memref<80xi32, #tpu.memory_space<vmem>>
      %dma_wait3A_423 = arith.constant 0 : i32
      %dma_wait3A_424 = tpu.memref_slice %arg7[%dma_wait3A_423] : memref<10000xf32, #tpu.memory_space<vmem_shared>> -> memref<10000xf32, #tpu.memory_space<vmem_shared>>
      tpu.wait_indirect_dma semaphore(%arg8 : memref<!tpu.dma_semaphore, #tpu.memory_space<semaphore_mem>>) src(%arg5 : memref<80xf32, #tpu.memory_space<vmem>>) dst(%dma_wait3A_424 : memref<10000xf32, #tpu.memory_space<vmem_shared>>)
      %mul3A_425 = arith.constant 25 : i32
      %mul3A_426 = arith.muli %scan3A_29, %mul3A_425 : i32
      %add3A_427 = arith.constant 19 : i32
      %add3A_428 = arith.addi %mul3A_426, %add3A_427 : i32
      %dma_wait3A_429 = arith.constant 0 : i32
      %dma_wait3A_430 = tpu.memref_slice %arg4[%add3A_428, %dma_wait3A_429] : memref<125x80xi32, #tpu.memory_space<vmem>> -> memref<1x80xi32, #tpu.memory_space<vmem>>
      %dma_wait3A_431 = tpu.memref_squeeze %dma_wait3A_430 : memref<1x80xi32, #tpu.memory_space<vmem>> -> memref<80xi32, #tpu.memory_space<vmem>>
      %dma_wait3A_432 = arith.constant 0 : i32
      %dma_wait3A_433 = tpu.memref_slice %arg7[%dma_wait3A_432] : memref<10000xf32, #tpu.memory_space<vmem_shared>> -> memref<10000xf32, #tpu.memory_space<vmem_shared>>
      tpu.wait_indirect_dma semaphore(%arg8 : memref<!tpu.dma_semaphore, #tpu.memory_space<semaphore_mem>>) src(%arg5 : memref<80xf32, #tpu.memory_space<vmem>>) dst(%dma_wait3A_433 : memref<10000xf32, #tpu.memory_space<vmem_shared>>)
      %mul3A_434 = arith.constant 25 : i32
      %mul3A_435 = arith.muli %scan3A_29, %mul3A_434 : i32
      %add3A_436 = arith.constant 20 : i32
      %add3A_437 = arith.addi %mul3A_435, %add3A_436 : i32
      %dma_wait3A_438 = arith.constant 0 : i32
      %dma_wait3A_439 = tpu.memref_slice %arg4[%add3A_437, %dma_wait3A_438] : memref<125x80xi32, #tpu.memory_space<vmem>> -> memref<1x80xi32, #tpu.memory_space<vmem>>
      %dma_wait3A_440 = tpu.memref_squeeze %dma_wait3A_439 : memref<1x80xi32, #tpu.memory_space<vmem>> -> memref<80xi32, #tpu.memory_space<vmem>>
      %dma_wait3A_441 = arith.constant 0 : i32
      %dma_wait3A_442 = tpu.memref_slice %arg7[%dma_wait3A_441] : memref<10000xf32, #tpu.memory_space<vmem_shared>> -> memref<10000xf32, #tpu.memory_space<vmem_shared>>
      tpu.wait_indirect_dma semaphore(%arg8 : memref<!tpu.dma_semaphore, #tpu.memory_space<semaphore_mem>>) src(%arg5 : memref<80xf32, #tpu.memory_space<vmem>>) dst(%dma_wait3A_442 : memref<10000xf32, #tpu.memory_space<vmem_shared>>)
      %mul3A_443 = arith.constant 25 : i32
      %mul3A_444 = arith.muli %scan3A_29, %mul3A_443 : i32
      %add3A_445 = arith.constant 21 : i32
      %add3A_446 = arith.addi %mul3A_444, %add3A_445 : i32
      %dma_wait3A_447 = arith.constant 0 : i32
      %dma_wait3A_448 = tpu.memref_slice %arg4[%add3A_446, %dma_wait3A_447] : memref<125x80xi32, #tpu.memory_space<vmem>> -> memref<1x80xi32, #tpu.memory_space<vmem>>
      %dma_wait3A_449 = tpu.memref_squeeze %dma_wait3A_448 : memref<1x80xi32, #tpu.memory_space<vmem>> -> memref<80xi32, #tpu.memory_space<vmem>>
      %dma_wait3A_450 = arith.constant 0 : i32
      %dma_wait3A_451 = tpu.memref_slice %arg7[%dma_wait3A_450] : memref<10000xf32, #tpu.memory_space<vmem_shared>> -> memref<10000xf32, #tpu.memory_space<vmem_shared>>
      tpu.wait_indirect_dma semaphore(%arg8 : memref<!tpu.dma_semaphore, #tpu.memory_space<semaphore_mem>>) src(%arg5 : memref<80xf32, #tpu.memory_space<vmem>>) dst(%dma_wait3A_451 : memref<10000xf32, #tpu.memory_space<vmem_shared>>)
      %mul3A_452 = arith.constant 25 : i32
      %mul3A_453 = arith.muli %scan3A_29, %mul3A_452 : i32
      %add3A_454 = arith.constant 22 : i32
      %add3A_455 = arith.addi %mul3A_453, %add3A_454 : i32
      %dma_wait3A_456 = arith.constant 0 : i32
      %dma_wait3A_457 = tpu.memref_slice %arg4[%add3A_455, %dma_wait3A_456] : memref<125x80xi32, #tpu.memory_space<vmem>> -> memref<1x80xi32, #tpu.memory_space<vmem>>
      %dma_wait3A_458 = tpu.memref_squeeze %dma_wait3A_457 : memref<1x80xi32, #tpu.memory_space<vmem>> -> memref<80xi32, #tpu.memory_space<vmem>>
      %dma_wait3A_459 = arith.constant 0 : i32
      %dma_wait3A_460 = tpu.memref_slice %arg7[%dma_wait3A_459] : memref<10000xf32, #tpu.memory_space<vmem_shared>> -> memref<10000xf32, #tpu.memory_space<vmem_shared>>
      tpu.wait_indirect_dma semaphore(%arg8 : memref<!tpu.dma_semaphore, #tpu.memory_space<semaphore_mem>>) src(%arg5 : memref<80xf32, #tpu.memory_space<vmem>>) dst(%dma_wait3A_460 : memref<10000xf32, #tpu.memory_space<vmem_shared>>)
      %mul3A_461 = arith.constant 25 : i32
      %mul3A_462 = arith.muli %scan3A_29, %mul3A_461 : i32
      %add3A_463 = arith.constant 23 : i32
      %add3A_464 = arith.addi %mul3A_462, %add3A_463 : i32
      %dma_wait3A_465 = arith.constant 0 : i32
      %dma_wait3A_466 = tpu.memref_slice %arg4[%add3A_464, %dma_wait3A_465] : memref<125x80xi32, #tpu.memory_space<vmem>> -> memref<1x80xi32, #tpu.memory_space<vmem>>
      %dma_wait3A_467 = tpu.memref_squeeze %dma_wait3A_466 : memref<1x80xi32, #tpu.memory_space<vmem>> -> memref<80xi32, #tpu.memory_space<vmem>>
      %dma_wait3A_468 = arith.constant 0 : i32
      %dma_wait3A_469 = tpu.memref_slice %arg7[%dma_wait3A_468] : memref<10000xf32, #tpu.memory_space<vmem_shared>> -> memref<10000xf32, #tpu.memory_space<vmem_shared>>
      tpu.wait_indirect_dma semaphore(%arg8 : memref<!tpu.dma_semaphore, #tpu.memory_space<semaphore_mem>>) src(%arg5 : memref<80xf32, #tpu.memory_space<vmem>>) dst(%dma_wait3A_469 : memref<10000xf32, #tpu.memory_space<vmem_shared>>)
      %mul3A_470 = arith.constant 25 : i32
      %mul3A_471 = arith.muli %scan3A_29, %mul3A_470 : i32
      %add3A_472 = arith.constant 24 : i32
      %add3A_473 = arith.addi %mul3A_471, %add3A_472 : i32
      %dma_wait3A_474 = arith.constant 0 : i32
      %dma_wait3A_475 = tpu.memref_slice %arg4[%add3A_473, %dma_wait3A_474] : memref<125x80xi32, #tpu.memory_space<vmem>> -> memref<1x80xi32, #tpu.memory_space<vmem>>
      %dma_wait3A_476 = tpu.memref_squeeze %dma_wait3A_475 : memref<1x80xi32, #tpu.memory_space<vmem>> -> memref<80xi32, #tpu.memory_space<vmem>>
      %dma_wait3A_477 = arith.constant 0 : i32
      %dma_wait3A_478 = tpu.memref_slice %arg7[%dma_wait3A_477] : memref<10000xf32, #tpu.memory_space<vmem_shared>> -> memref<10000xf32, #tpu.memory_space<vmem_shared>>
      tpu.wait_indirect_dma semaphore(%arg8 : memref<!tpu.dma_semaphore, #tpu.memory_space<semaphore_mem>>) src(%arg5 : memref<80xf32, #tpu.memory_space<vmem>>) dst(%dma_wait3A_478 : memref<10000xf32, #tpu.memory_space<vmem_shared>>)
      %scan3A_479 = arith.constant 0 : i32
      scf.yield %scan3A_479 : i32
    }
    %scan3A_22 = arith.constant 5 : i32
    %barrier3A_23 = arith.constant 0 : index
    tpu.barrier barrier_id(%barrier3A_23)
    %eq3A_24 = arith.constant 0 : i32
    %eq3A_25 = arith.cmpi eq, %arg1, %eq3A_24 : i32
    %convert_element_type3A_26 = arith.extui %eq3A_25 : i1 to i32
    %cond3A_27 = arith.constant 0 : i32
    %cond3A_28 = arith.cmpi ne, %convert_element_type3A_26, %cond3A_27 : i32
    scf.if %cond3A_28 {
      "tpu.region"() ({
        %run_scoped3A = tpu.sem_alloc : memref<!tpu.dma_semaphore, #tpu.memory_space<semaphore_mem>>
        tpu.enqueue_dma source(%arg7 : memref<10000xf32, #tpu.memory_space<vmem_shared>>) target(%arg6 : memref<10000xf32, #tpu.memory_space<vmem>>) target_semaphore(%run_scoped3A : memref<!tpu.dma_semaphore, #tpu.memory_space<semaphore_mem>>)
        tpu.wait_dma2 semaphore(%run_scoped3A : memref<!tpu.dma_semaphore, #tpu.memory_space<semaphore_mem>>) src(%arg7 : memref<10000xf32, #tpu.memory_space<vmem_shared>>) dst(%arg6 : memref<10000xf32, #tpu.memory_space<vmem>>)
        tpu.yield
      }) : () -> ()
      %mul3A_29 = arith.constant 10000 : i32
      %mul3A_30 = arith.muli %arg0, %mul3A_29 : i32
      "tpu.region"() ({
        %run_scoped3A = tpu.sem_alloc : memref<!tpu.dma_semaphore, #tpu.memory_space<semaphore_mem>>
        %dma_start3A = tpu.memref_slice %arg3[%mul3A_30] : memref<20000xf32, #tpu.memory_space<hbm>> -> memref<10000xf32, #tpu.memory_space<hbm>>
        %dma_start3A_31 = tpu.memref_slice %arg3[%mul3A_30] : memref<20000xf32, #tpu.memory_space<hbm>> -> memref<10000xf32, #tpu.memory_space<hbm>>
        tpu.enqueue_dma source(%arg6 : memref<10000xf32, #tpu.memory_space<vmem>>) target(%dma_start3A_31 : memref<10000xf32, #tpu.memory_space<hbm>>) target_semaphore(%run_scoped3A : memref<!tpu.dma_semaphore, #tpu.memory_space<semaphore_mem>>)
        %dma_wait3A = tpu.memref_slice %arg3[%mul3A_30] : memref<20000xf32, #tpu.memory_space<hbm>> -> memref<10000xf32, #tpu.memory_space<hbm>>
        %dma_wait3A_32 = tpu.memref_slice %arg3[%mul3A_30] : memref<20000xf32, #tpu.memory_space<hbm>> -> memref<10000xf32, #tpu.memory_space<hbm>>
        tpu.wait_dma2 semaphore(%run_scoped3A : memref<!tpu.dma_semaphore, #tpu.memory_space<semaphore_mem>>) src(%arg6 : memref<10000xf32, #tpu.memory_space<vmem>>) dst(%dma_wait3A_32 : memref<10000xf32, #tpu.memory_space<hbm>>)
        tpu.yield
      }) : () -> ()
    } else {
    }
    return
  }
}

module attributes {stable_mosaic.version = 14 : i64} {
  func.func @_tc1_body(%arg0: i32, %arg1: memref<1000x128xf32, #tpu.memory_space<vmem>>, %arg2: memref<128x128xf32, #tpu.memory_space<vmem>>, %arg3: memref<1000x2xf32, #tpu.memory_space<vmem>>, %arg4: memref<1000x128xf32, #tpu.memory_space<vmem>>) attributes {dimension_semantics = [#tpu.dimension_semantics<arbitrary>], iteration_bounds = array<i64: 10>, scalar_prefetch = 0 : i64, scratch_operands = 0 : i64, tpu.core_type = #tpu.core_type<tc>, window_params = [{transform_indices = @transform_0, window_bounds = array<i64: 1000, 128>}, {pipeline_mode = #tpu.pipeline_mode<synchronous>, transform_indices = @transform_1, window_bounds = array<i64: 128, 128>}, {transform_indices = @transform_2, window_bounds = array<i64: 1000, 2>}, {transform_indices = @transform_3, window_bounds = array<i64: 1000, 128>}]} {
    %get3A = arith.constant 0 : index
    %get3A_0 = arith.constant 0 : index
    %get3A_1 = vector.load %arg3[%get3A, %get3A_0] : memref<1000x2xf32, #tpu.memory_space<vmem>>, vector<1000x1xf32>
    %get3A_2 = arith.constant 0 : index
    %get3A_3 = arith.constant 1 : index
    %get3A_4 = vector.load %arg3[%get3A_2, %get3A_3] : memref<1000x2xf32, #tpu.memory_space<vmem>>, vector<1000x1xf32>
    %add3A = arith.addf %get3A_1, %get3A_4 : vector<1000x1xf32>
    %add3A_5 = arith.constant 1.000000e+00 : f32
    %add3A_6 = vector.broadcast %add3A_5 : f32 to vector<1000x1xf32>
    %add3A_7 = arith.addf %add3A, %add3A_6 : vector<1000x1xf32>
    %rsqrt3A = math.rsqrt %add3A_7 : vector<1000x1xf32>
    %get3A_8 = arith.constant 0 : index
    %get3A_9 = arith.constant 0 : index
    %get3A_10 = vector.load %arg1[%get3A_8, %get3A_9] : memref<1000x128xf32, #tpu.memory_space<vmem>>, vector<1000x128xf32>
    %get3A_11 = arith.constant 0 : index
    %get3A_12 = arith.constant 0 : index
    %get3A_13 = vector.load %arg2[%get3A_11, %get3A_12] : memref<128x128xf32, #tpu.memory_space<vmem>>, vector<128x128xf32>
    %dot_general3A = arith.constant dense<0.000000e+00> : vector<1000x128xf32>
    %dot_general3A_14 = tpu.matmul %get3A_10, %get3A_13, %dot_general3A {dimension_numbers = #tpu.dot_dimension_numbers<[1], [0], [0], [1], [0, 0, 1, 1], [], []>, transpose_lhs_hint = false} : vector<1000x128xf32>, vector<128x128xf32>, vector<1000x128xf32> -> vector<1000x128xf32>
    %mul3A = vector.broadcast %rsqrt3A : vector<1000x1xf32> to vector<1000x128xf32>
    %mul3A_15 = arith.mulf %dot_general3A_14, %mul3A : vector<1000x128xf32>
    %swap3A = arith.constant 0 : index
    %swap3A_16 = arith.constant 0 : index
    %swap3A_17 = vector.load %arg4[%swap3A, %swap3A_16] : memref<1000x128xf32, #tpu.memory_space<vmem>>, vector<1000x128xf32>
    tpu.vector_store %arg4[%swap3A, %swap3A_16], %mul3A_15 {strides = array<i32>} : memref<1000x128xf32, #tpu.memory_space<vmem>>, vector<1000x128xf32>,
    return
  }
  func.func @transform_0(%arg0: i32) -> (i32, i32) {
    %c0_i32 = arith.constant 0 : i32
    %c0_i32_0 = arith.constant 0 : i32
    return %arg0, %c0_i32 : i32, i32
  }
  func.func @transform_1(%arg0: i32) -> (i32, i32) {
    %c0_i32 = arith.constant 0 : i32
    %c0_i32_0 = arith.constant 0 : i32
    %c0_i32_1 = arith.constant 0 : i32
    return %c0_i32, %c0_i32_0 : i32, i32
  }
  func.func @transform_2(%arg0: i32) -> (i32, i32) {
    %c0_i32 = arith.constant 0 : i32
    %c0_i32_0 = arith.constant 0 : i32
    return %arg0, %c0_i32 : i32, i32
  }
  func.func @transform_3(%arg0: i32) -> (i32, i32) {
    %c0_i32 = arith.constant 0 : i32
    %c0_i32_0 = arith.constant 0 : i32
    return %arg0, %c0_i32 : i32, i32
  }
}

module attributes {stable_mosaic.version = 14 : i64} {
  func.func @_tc2_body(%arg0: i32, %arg1: memref<2x1x1000x128xf32, #tpu.memory_space<vmem>>, %arg2: memref<1000x128xf32, #tpu.memory_space<vmem>>, %arg3: memref<1000x2xf32, #tpu.memory_space<vmem>>, %arg4: memref<1x128xf32, #tpu.memory_space<vmem>>, %arg5: memref<1000x128xf32, #tpu.memory_space<vmem>>) attributes {dimension_semantics = [#tpu.dimension_semantics<arbitrary>], iteration_bounds = array<i64: 10>, scalar_prefetch = 0 : i64, scratch_operands = 0 : i64, tpu.core_type = #tpu.core_type<tc>, window_params = [{transform_indices = @transform_0, window_bounds = array<i64: 2, 1, 1000, 128>}, {transform_indices = @transform_1, window_bounds = array<i64: 1000, 128>}, {transform_indices = @transform_2, window_bounds = array<i64: 1000, 2>}, {pipeline_mode = #tpu.pipeline_mode<synchronous>, transform_indices = @transform_3, window_bounds = array<i64: 1, 128>}, {transform_indices = @transform_4, window_bounds = array<i64: 1000, 128>}]} {
    %get3A = arith.constant 0 : index
    %get3A_0 = arith.constant 0 : index
    %get3A_1 = vector.load %arg3[%get3A, %get3A_0] : memref<1000x2xf32, #tpu.memory_space<vmem>>, vector<1000x1xf32>
    %get3A_2 = arith.constant 0 : index
    %get3A_3 = arith.constant 1 : index
    %get3A_4 = vector.load %arg3[%get3A_2, %get3A_3] : memref<1000x2xf32, #tpu.memory_space<vmem>>, vector<1000x1xf32>
    %add3A = arith.addf %get3A_1, %get3A_4 : vector<1000x1xf32>
    %add3A_5 = arith.constant 1.000000e+00 : f32
    %add3A_6 = vector.broadcast %add3A_5 : f32 to vector<1000x1xf32>
    %add3A_7 = arith.addf %add3A, %add3A_6 : vector<1000x1xf32>
    %rsqrt3A = math.rsqrt %add3A_7 : vector<1000x1xf32>
    %get3A_8 = arith.constant 0 : index
    %get3A_9 = arith.constant 0 : index
    %get3A_10 = arith.constant 0 : index
    %get3A_11 = arith.constant 0 : index
    %get3A_12 = vector.load %arg1[%get3A_8, %get3A_9, %get3A_10, %get3A_11] : memref<2x1x1000x128xf32, #tpu.memory_space<vmem>>, vector<1x1x1000x128xf32>
    %get3A_13 = vector.shape_cast %get3A_12 : vector<1x1x1000x128xf32> to vector<1000x128xf32>
    %get3A_14 = arith.constant 1 : index
    %get3A_15 = arith.constant 0 : index
    %get3A_16 = arith.constant 0 : index
    %get3A_17 = arith.constant 0 : index
    %get3A_18 = vector.load %arg1[%get3A_14, %get3A_15, %get3A_16, %get3A_17] : memref<2x1x1000x128xf32, #tpu.memory_space<vmem>>, vector<1x1x1000x128xf32>
    %get3A_19 = vector.shape_cast %get3A_18 : vector<1x1x1000x128xf32> to vector<1000x128xf32>
    %add3A_20 = arith.addf %get3A_13, %get3A_19 : vector<1000x128xf32>
    %get3A_21 = arith.constant 0 : index
    %get3A_22 = arith.constant 0 : index
    %get3A_23 = vector.load %arg2[%get3A_21, %get3A_22] : memref<1000x128xf32, #tpu.memory_space<vmem>>, vector<1000x128xf32>
    %add3A_24 = arith.addf %add3A_20, %get3A_23 : vector<1000x128xf32>
    %mul3A = vector.broadcast %rsqrt3A : vector<1000x1xf32> to vector<1000x128xf32>
    %mul3A_25 = arith.mulf %mul3A, %add3A_24 : vector<1000x128xf32>
    %get3A_26 = arith.constant 0 : index
    %get3A_27 = arith.constant 0 : index
    %get3A_28 = vector.load %arg4[%get3A_26, %get3A_27] : memref<1x128xf32, #tpu.memory_space<vmem>>, vector<1x128xf32>
    %add3A_29 = vector.broadcast %get3A_28 : vector<1x128xf32> to vector<1000x128xf32>
    %add3A_30 = arith.addf %mul3A_25, %add3A_29 : vector<1000x128xf32>
    %swap3A = arith.constant 0 : index
    %swap3A_31 = arith.constant 0 : index
    %swap3A_32 = vector.load %arg5[%swap3A, %swap3A_31] : memref<1000x128xf32, #tpu.memory_space<vmem>>, vector<1000x128xf32>
    tpu.vector_store %arg5[%swap3A, %swap3A_31], %add3A_30 {strides = array<i32>} : memref<1000x128xf32, #tpu.memory_space<vmem>>, vector<1000x128xf32>,
    return
  }
  func.func @transform_0(%arg0: i32) -> (i32, i32, i32, i32) {
    %c0_i32 = arith.constant 0 : i32
    %c0_i32_0 = arith.constant 0 : i32
    %c0_i32_1 = arith.constant 0 : i32
    %c0_i32_2 = arith.constant 0 : i32
    return %c0_i32, %c0_i32_0, %arg0, %c0_i32_1 : i32, i32, i32, i32
  }
  func.func @transform_1(%arg0: i32) -> (i32, i32) {
    %c0_i32 = arith.constant 0 : i32
    %c0_i32_0 = arith.constant 0 : i32
    return %arg0, %c0_i32 : i32, i32
  }
  func.func @transform_2(%arg0: i32) -> (i32, i32) {
    %c0_i32 = arith.constant 0 : i32
    %c0_i32_0 = arith.constant 0 : i32
    return %arg0, %c0_i32 : i32, i32
  }
  func.func @transform_3(%arg0: i32) -> (i32, i32) {
    %c0_i32 = arith.constant 0 : i32
    %c0_i32_0 = arith.constant 0 : i32
    %c0_i32_1 = arith.constant 0 : i32
    return %c0_i32, %c0_i32_0 : i32, i32
  }
  func.func @transform_4(%arg0: i32) -> (i32, i32) {
    %c0_i32 = arith.constant 0 : i32
    %c0_i32_0 = arith.constant 0 : i32
    return %arg0, %c0_i32 : i32, i32
  }
}

</mosaic_0001>

<sc_bundles>
// kernel: kernel.6.cloned.1.call-start
scs
__scs_entry_jumppad:
0x0: {  	(pc) =	sbr.rel $0x88, $3  }
0x1: {  	(tag) =	ssettag $0x0;
	lr =	simm.s32 $0x1  }
0x2: {  	[smem:$0x3F9D] =	sst lr;
	_ =	strace $0xD0000000  }
0x3: {  	_ = 	snop  }
0x4: {  	_ = 	snop  }
0x5: {  	_ = 	snop  }
0x6: {  	_ = 	snop  }
0x7: {  	_ = 	snop  }
__scs_overlays_trampoline_lowered:
0x8: {  	[smem:$0x3FAC] =	sst s0  }
0x9: {  	[smem:$0x3FAD] =	sst s1  }
0xa: {  	[smem:$0x3FAE] =	sst s2  }
0xb: {  	[smem:$0x3FAF] =	sst s3  }
0xc: {  	[smem:$0x3FB0] =	sst s4  }
0xd: {  	[smem:$0x3FB1] =	sst s5  }
0xe: {  	[smem:$0x3FB2] =	sst s6  }
0xf: {  	[smem:$0x3FB3] =	sst s7  }
0x10: {  	[smem:$0x3FB4] =	sst s8  }
0x11: {  	[smem:$0x3FB5] =	sst s9;
	s0 =	simm.s32 @!p0 $0x0  }
0x12: {  	s1 =	sld [smem:$0x3F9B];
	s0 =	simm.s32 @p0 $0x1  }
0x13: {  	[smem:$0x3FB6] =	sst s0;
	s0 =	simm.s32 @!p1 $0x0  }
0x14: {  	s2 =	sld [smem:$0x3F9A];
	s0 =	simm.s32 @p1 $0x1  }
0x15: {  	[smem:$0x3FB7] =	sst s0;
	s0 =	simm.s32 @!p2 $0x0  }
0x16: {  	s3 =	sld [smem:$0x3FDB];
	s0 =	simm.s32 @p2 $0x1  }
0x17: {  	s4 =	simm.s32 $0x1BF5;
	[smem:$0x3FB9] =	sst s0  }
0x18: {  	s0 =	sld [smem:$0x3F9C];
	_ =	swait.ge [sflag:s4], $0x0  }
0x19: {  	s7 =	sld [smem:$0x3F9D]  }
0x1a: {  	s8 =	sadd.s32 $0xFFFFE003, lr  }
0x1b: {  	s9 =	sadd.s32 $0xFFFFFEF7, lr;
	s5 =	simm.s32 $0xFFFFFFFF;
	p2 =	slt.u32 s8, $0xFFFFF086  }
0x1c: {  	p1 =	slt.u32 s9, $0xF7A;
	s5 =	simm.s32 @!p2 $0x0  }
0x1d: {  	s5 =	simm.s32 @p1 $0x1;
	p0 =	seq.s32 s7, s2  }
0x1e: {  	s7 =	smul.u32 @!p0 $0xF7A, s2;
	p2 =	seq.s32 @!p0 s5, $0x0  }
0x1f: {  	s9 =	smul.u32 $0xF7A, s1;
	s8 =	simm.s32 @!p0 $0x1BF5;
	p2 =	por !p2, p0  }
0x20: {  	[sflag:s8] =	ssyncset.s32 @!p0 $0xFFFFF086;
	s6 =	sadd.s32 @!p0 s3, s7;
	s7 =	simm.s32 @!p0 $0x108  }
0x21: {  	s3 =	sadd.s32 s3, s9;
	s6 =	sadd.s32 @!p0 $0x88, s6;
	s7 =	simm.s32 @p2 $0x1082  }
0x22: {  	[simem:s7], [sflag:s8] =	dma.local @!p0 [hbm:s6], $0xF7A  }
0x23: {  	s9 =	sor.u32 $0xD0000000, s2;
	s6 =	simm.s32 $0x108;
	_ =	swait.ge @!p0 [sflag:s8], $0x0  }
0x24: {  	s3 =	sadd.s32 $0x88, s3;
	s6 =	simm.s32 @!p1 $0x1082;
	[sflag:s4] =	ssyncset.s32 $0xFFFFF086  }
0x25: {  	[simem:s6], [sflag:s4] =	dma.local [hbm:s3], $0xF7A  }
0x26: {  	[smem:$0x3F9D] =	sst s1;
	(tag) =	ssettag s2;
	_ =	strace s9  }
0x27: {  	s1 =	sld [smem:$0x3FAD]  }
0x28: {  	s2 =	sld [smem:$0x3FAE]  }
0x29: {  	s4 =	sld [smem:$0x3FB0]  }
0x2a: {  	p0 =	seq.s32 s5, $0x0;
	s5 =	sld [smem:$0x3FB1]  }
0x2b: {  	s6 =	sld [smem:$0x3FB2]  }
0x2c: {  	s7 =	sld [smem:$0x3FB3]  }
0x2d: {  	s3 =	simm.s32 $0x108;
	s8 =	sld [smem:$0x3FB4]  }
0x2e: {  	s3 =	simm.s32 @!p0 $0x1082;
	s9 =	sld [smem:$0x3FB5]  }
0x2f: {  	lr =	sadd.s32 s0, s3;
	s0 =	sld [smem:$0x3FAC]  }
0x30: {  	s3 =	sld [smem:$0x3FAF]  }
0x31: {  	[smem:$0x3FB8] =	sst s10  }
0x32: {  	s10 =	sld [smem:$0x3FB6];
	_ =	sdelay $0x3  }
0x33: {  	p0 =	seq.s32 s10, $0x1;
	s10 =	sld [smem:$0x3FB8];
	_ =	sdelay $0x3  }
0x34: {  	[smem:$0x3FB8] =	sst s10  }
0x35: {  	s10 =	sld [smem:$0x3FB7];
	_ =	sdelay $0x3  }
0x36: {  	p1 =	seq.s32 s10, $0x1;
	s10 =	sld [smem:$0x3FB8];
	_ =	sdelay $0x3  }
0x37: {  	[smem:$0x3FB8] =	sst s10  }
0x38: {  	s10 =	sld [smem:$0x3FB9]  }
0x39: {  	_ = 	snop;
	(pc) =	sbr.ind lr, $3  }
0x3a: {  	_ = 	snop  }
0x3b: {  	_ = 	snop  }
0x3c: {  	p2 =	seq.s32 s10, $0x1;
	s10 =	sld [smem:$0x3FB8]  }
0x3d: {  	_ =	shalt  }
0x3e: {  	_ =	shalt  }
0x3f: {  	_ =	shalt  }
0x40: {  	_ =	shalt  }
0x41: {  	_ =	shalt  }
0x42: {  	_ =	shalt  }
0x43: {  	_ =	shalt  }
0x44: {  	_ =	shalt  }
0x45: {  	_ =	shalt  }
0x46: {  	_ =	shalt  }
0x47: {  	_ =	shalt  }
0x48: {  	_ =	shalt  }
0x49: {  	_ =	shalt  }
0x4a: {  	_ =	shalt  }
0x4b: {  	_ =	shalt  }
0x4c: {  	_ =	shalt  }
0x4d: {  	_ =	shalt  }
0x4e: {  	_ =	shalt  }
0x4f: {  	_ =	shalt  }
0x50: {  	_ =	shalt  }
0x51: {  	_ =	shalt  }
0x52: {  	_ =	shalt  }
0x53: {  	_ =	shalt  }
0x54: {  	_ =	shalt  }
0x55: {  	_ =	shalt  }
0x56: {  	_ =	shalt  }
0x57: {  	_ =	shalt  }
0x58: {  	_ =	shalt  }
0x59: {  	_ =	shalt  }
0x5a: {  	_ =	shalt  }
0x5b: {  	_ =	shalt  }
0x5c: {  	_ =	shalt  }
0x5d: {  	_ =	shalt  }
0x5e: {  	_ =	shalt  }
0x5f: {  	_ =	shalt  }
0x60: {  	_ =	shalt  }
0x61: {  	_ =	shalt  }
0x62: {  	_ =	shalt  }
0x63: {  	_ =	shalt  }
0x64: {  	_ =	shalt  }
0x65: {  	_ =	shalt  }
0x66: {  	_ =	shalt  }
0x67: {  	_ =	shalt  }
0x68: {  	_ =	shalt  }
0x69: {  	_ =	shalt  }
0x6a: {  	_ =	shalt  }
0x6b: {  	_ =	shalt  }
0x6c: {  	_ =	shalt  }
0x6d: {  	_ =	shalt  }
0x6e: {  	_ =	shalt  }
0x6f: {  	_ =	shalt  }
0x70: {  	_ =	shalt  }
0x71: {  	_ =	shalt  }
0x72: {  	_ =	shalt  }
0x73: {  	_ =	shalt  }
0x74: {  	_ =	shalt  }
0x75: {  	_ =	shalt  }
0x76: {  	_ =	shalt  }
0x77: {  	_ =	shalt  }
0x78: {  	_ =	shalt  }
0x79: {  	_ =	shalt  }
0x7a: {  	_ =	shalt  }
0x7b: {  	_ =	shalt  }
0x7c: {  	_ =	shalt  }
0x7d: {  	_ =	shalt  }
0x7e: {  	_ =	shalt  }
0x7f: {  	_ =	shalt  }
0x80: {  	_ =	shalt  }
0x81: {  	_ =	shalt  }
0x82: {  	_ =	shalt  }
0x83: {  	_ =	shalt  }
0x84: {  	_ =	shalt  }
0x85: {  	_ =	shalt  }
0x86: {  	_ =	shalt  }
0x87: {  	_ =	shalt  }
.Lfunc_end0:
.L_simem_size_0:
called_computation_lowered:
.L_overlay_start_0:
0x88: {  	s2 =	sld [smem:$0x3FD9]  }
0x89: {  	s3 =	sld [smem:$0x3FFE];
	_ =	sdelay $0x1  }
0x8a: {  	s1 =	srdreg.scid  }
0x8b: {  	s0 =	sand.u32 $0x1, s1  }
0x8c: {  	s17 =	sshll.u32 s0, $0xA;
	s2 =	sadd.s32 s3, s2  }
0x8d: {  	s2 =	sadd.s32 s2, s17  }
0x8e: {  	[smem:$0x3FC4] =	sst s2  }
0x8f: {  	_ = 	snop  }
0x90: {  	s2 =	sld [smem:$0x3FD0];
	(tm) =	ssettm $0x1  }
0x91: {  	s18 =	sld [smem:$0x3FFB];
	_ =	sdelay $0x3  }
0x92: {  	_ =	strace s18  }
0x93: {  	s3 =	sld [smem:$0x3FFC];
	_ =	sdelay $0x3  }
0x94: {  	_ =	strace s3  }
0x95: {  	s3 =	sld [smem:$0x3FFD];
	_ =	sdelay $0x3  }
0x96: {  	_ =	strace s3  }
0x97: {  	_ =	strace $0x8FFFFFFF  }
0x98: {  	s19 =	sld [smem:$0x3FDB];
	_ =	sdelay $0x1  }
0x99: {  	s4 =	simm.s32 $_scs_section_size  }
0x9a: {  	s5 =	simm.s32 $_size__tile_overlayer_lowered;
	s6 =	simm.s32 $_tile_overlayer_lowered  }
0x9b: {  	s22 =	simm.s32 $0x1BFF;
	s21 =	sshll.u32 s6, $0x1;
	s3 =	sadd.s32 s4, s19  }
0x9c: {  	s7 =	simm.s32 $0x0;
	s20 =	sshll.u32 s5, $0x1;
	s5 =	sadd.s32 s21, s3  }
0x9d: {  	[timem:s7], [sflag:s22] =	dma.local [hbm:s5], s20  }
0x9e: {  	_ =	swait.ge [sflag:s22], s20  }
0x9f: {  	s4 =	ssub.s32 $0x0, s20;
	[sflag:s22] =	ssyncset.done $0x0  }
0xa0: {  	[sflag:s22] =	ssyncadd.s32 s4;
	_ =	sdelay $0x1  }
0xa1: {  	s23 =	simm.s32 $0x1B8B  }
0xa2: {  	_ =	swait.ge [sflag:s23], $0x1  }
0xa3: {  	[sflag:s23] =	ssyncset.done $0x0  }
0xa4: {  	s25 =	simm.s32 $0x1B8E;
	s24 =	sld [smem:$0x3FFE];
	[sflag:s23] =	ssyncadd.s32 $0xFFFFFFFF  }
0xa5: {  	s26 =	simm.s32 $execute0_lowered;
	[smem:$0x3FD2] =	sst s25  }
0xa6: {  	s5 =	sshll.u32 s26, $0x1;
	_ =	strace $0x80000046;
	[dreg:$0x1] =	wrdreg $0xFFFFFFFF  }
0xa7: {  	s28 =	simm.s32 $_size_execute0_lowered;
	s3 =	sadd.s32 s3, s5;
	[dreg:$0x0] =	wrdreg $0x0  }
0xa8: {  	s5 =	sshll.u32 s28, $0x1;
	[dreg:$0x2] =	wrdreg s3  }
0xa9: {  	[dreg:$0x3] =	wrdreg s5  }
0xaa: {  	[dreg:$0x4] =	wrdreg $0xC0  }
0xab: {  	_ =	task [dreg:s7], $0x5FFFF  }
0xac: {  	[dreg:$0x1] =	wrdreg $0xFFFFFFFF  }
0xad: {  	[dreg:$0x0] =	wrdreg $0x60  }
0xae: {  	[dreg:$0x2] =	wrdreg s2  }
0xaf: {  	[dreg:$0x3] =	wrdreg s24  }
0xb0: {  	[dreg:$0x4] =	wrdreg $0x68000  }
0xb1: {  	[dreg:$0x5] =	wrdreg $0x9  }
0xb2: {  	_ =	task.clear_ibuf [dreg:s7], $0x6FFFF;
	_ =	strace $0x90000046  }
0xb3: {  	s29 =	simm.s32 $0x9;
	_ =	strace $0x80000048  }
0xb4: {  	_ =	swait.ge [sflag:s29], $0x1  }
0xb5: {  	[sflag:s29] =	ssyncadd.s32 $0xFFFFFFFF  }
0xb6: {  	_ =	strace $0x90000048  }
0xb7: {  	_ =	sfence  }
0xb8: {  	s30 =	sld [smem:$0x0];
	_ =	sdelay $0x2  }
0xb9: {  	s31 =	sshll.u32 s1, $0xD;
	s1 =	sshrl.u32 s1, $0x2  }
0xba: {  	s3 =	sand.u32 $0x4000, s31;
	s1 =	sadd.s32 s1, s30  }
0xbb: {  	s0 =	sor.u32 s3, s0;
	s1 =	sshll.u32 s1, $0x11  }
0xbc: {  	s0 =	sor.u32 s1, s0  }
0xbd: {  	s0 =	sadd.s32 $0x8F2B, s0  }
0xbe: {  	[sflag:s0] =	ssyncadd.remote.s32 $0x1  }
0xbf: {  	_ =	sfence.sel $0xFFFF  }
0xc0: {  	[dreg:$0x0] =	wrdreg $0xFFFFFFFF;
	(pc) =	sbr.abs _section_cstart, $3  }
0xc1: {  	[dreg:$0x1] =	wrdreg $0xFFFFFFFF  }
0xc2: {  	_ =	task.clear_ibuf [dreg:s7], $0x2FFFF;
	_ =	strace $0x9FFFFFFF  }
0xc3: {  	(tm) =	ssettm $0x7FFFFFFF  }
tec
execute0_lowered:
.L_overlay_start_1:
0x0: {  	(tag) =	ssettag $0x1  }
0x1: {  	s3 =	rddreg [dreg:$0x0]  }
0x2: {  	s4 =	rddreg [dreg:$0x1];
	s0 =	srdreg.scid  }
0x3: {  	s1 =	rddreg [dreg:$0x2];
	s2 =	simm.s32 $0x0;
	s7 =	stileid.u32  }
0x4: {  	s9 =	simm.s32 $0x1;
	s5 =	sand.u32 $0x1, s0;
	s0 =	rddreg [dreg:$0x3]  }
0x5: {  	s10 =	simm.s32 $0x0;
	[smem:$0x7FF] =	sst s2;
	s31 =	sshll.u32 s7, $0xC  }
0x6: {  	p0 =	sne.s32 s7, $0x0;
	s7 =	simm.s32 $0x50;
	s6 =	smul.u32 $0x4E2, s5  }
0x7: {  	_ =	strace $0x80000047;
	s30 =	ssub.s32 $0x2, s5;
	s5 =	sshll.u32 s5, $0xB  }
0x8: {  	s8 =	sshrl.u32 s30, $0x1;
	s3 =	sadd.s32 s3, s5;
	s4 =	sadd.s32 s6, s4  }
0x9: {  	s6 =	ssub.s32 s30, s8;
	s3 =	sadd.s32 s31, s3;
	s8 =	simm.s32 $0x4000  }
0xa: {  	v0 =	vimm.f32 $1.000000000e+00;
	v1 =	vimm.f32 $0.0e+00;
	s4 =	sadd.s32 $0x15600, s4;
	s5 =	smax.u32 s6, $0x1;
	s6 =	simm.s32 $0x2  }
.LBB2_1:
0xb: {  	[tilespmem:s2], [sflag:$0x2] =	stream.linear.gather [hbm4b:s3+s2], $0x3E80, $0x38;
	[tilespmem:$0x6A78] =	vst v63  }
0xc: {  	_ =	swait.ge [sflag:s6], $0x3E80  }
0xd: {  	[sflag:s6] =	ssyncset.done $0x0  }
0xe: {  	[sflag:s6] =	ssyncadd.s32 $0xFFFFC180  }
0xf: {  	[tilespmem:$0x4000] =	vst v0  }
0x10: {  	[tilespmem:$0x4010] =	vst v0  }
0x11: {  	[tilespmem:$0x4020] =	vst v0  }
0x12: {  	[tilespmem:$0x4030] =	vst v0  }
0x13: {  	s11 =	simm.s32 $0x40;
	s12 =	simm.s32 $0x0;
	[tilespmem:$0x4040] =	vst v0  }
.LBB2_2:
0x14: {  	p1 =	sne.s32 s11, $0x9C00;
	[tilespmem:s12+$0x4080] =	vst v1;
	s12 =	smov.u32 s11;
	s11 =	sadd.s32 $0x40, s11  }
.Ltmp0:
0x15: {  	(pc) =	sbr.rel @p1 .LBB2_2-.Ltmp0, $2  }
0x16: {  	_ =	sdelay $0x2  }
0x17: {  	s12 =	sshra.s32 s12, $0x2  }
0x18: {  	[tilespmem:s12+$0x4080] =	vst v1;
	s11 =	simm.s32 @!p0 $0x4080  }
0x19: {  	[spmem:s1] =	stream.linear.scatter @!p0 [tilespmem:s11], [sflag:$0x2], $0x2780, $0x38;
	[tilespmem:$0x6A78] =	vst v63  }
0x1a: {  	s11 =	simm.s32 @!p0 $0x2  }
0x1b: {  	_ =	swait.ge @!p0 [sflag:s11], $0x2780  }
0x1c: {  	[sflag:s11] =	ssyncset.done @!p0 $0x0  }
0x1d: {  	[sflag:s11] =	ssyncadd.s32 @!p0 $0xFFFFD880  }
0x1e: {  	s25 =	simm.s32 $0x0;
	[bflag:$0x0] =	sbarrier.arrive $0xFFFF  }
0x1f: {  	[spmem:s1] =	stream.indirect.scatter.add.f32 [tilespmem:s8], [sflag:$0x1], $0x1, s25, s7, $0xb8;
	[tilespmem:$0x6A78] =	vst v63  }
0x20: {  	s26 =	simm.s32 $0x80  }
0x21: {  	[spmem:s1] =	stream.indirect.scatter.add.f32 [tilespmem:s8], [sflag:$0x1], $0x1, s26, s7, $0xb8;
	[tilespmem:$0x6A78] =	vst v63  }
0x22: {  	s28 =	simm.s32 $0x100  }
0x23: {  	[spmem:s1] =	stream.indirect.scatter.add.f32 [tilespmem:s8], [sflag:$0x1], $0x1, s28, s7, $0xb8;
	[tilespmem:$0x6A78] =	vst v63  }
0x24: {  	s29 =	simm.s32 $0x180  }
0x25: {  	[spmem:s1] =	stream.indirect.scatter.add.f32 [tilespmem:s8], [sflag:$0x1], $0x1, s29, s7, $0xb8;
	[tilespmem:$0x6A78] =	vst v63  }
0x26: {  	s30 =	simm.s32 $0x200  }
0x27: {  	[spmem:s1] =	stream.indirect.scatter.add.f32 [tilespmem:s8], [sflag:$0x1], $0x1, s30, s7, $0xb8;
	[tilespmem:$0x6A78] =	vst v63  }
0x28: {  	s31 =	simm.s32 $0x280  }
0x29: {  	[spmem:s1] =	stream.indirect.scatter.add.f32 [tilespmem:s8], [sflag:$0x1], $0x1, s31, s7, $0xb8;
	[tilespmem:$0x6A78] =	vst v63  }
0x2a: {  	s12 =	simm.s32 $0x300  }
0x2b: {  	[spmem:s1] =	stream.indirect.scatter.add.f32 [tilespmem:s8], [sflag:$0x1], $0x1, s12, s7, $0xb8;
	[tilespmem:$0x6A78] =	vst v63  }
0x2c: {  	s13 =	simm.s32 $0x380  }
0x2d: {  	[spmem:s1] =	stream.indirect.scatter.add.f32 [tilespmem:s8], [sflag:$0x1], $0x1, s13, s7, $0xb8;
	[tilespmem:$0x6A78] =	vst v63  }
0x2e: {  	s14 =	simm.s32 $0x400  }
0x2f: {  	[spmem:s1] =	stream.indirect.scatter.add.f32 [tilespmem:s8], [sflag:$0x1], $0x1, s14, s7, $0xb8;
	[tilespmem:$0x6A78] =	vst v63  }
0x30: {  	s15 =	simm.s32 $0x480  }
0x31: {  	[spmem:s1] =	stream.indirect.scatter.add.f32 [tilespmem:s8], [sflag:$0x1], $0x1, s15, s7, $0xb8;
	[tilespmem:$0x6A78] =	vst v63  }
0x32: {  	s16 =	simm.s32 $0x500  }
0x33: {  	[spmem:s1] =	stream.indirect.scatter.add.f32 [tilespmem:s8], [sflag:$0x1], $0x1, s16, s7, $0xb8;
	[tilespmem:$0x6A78] =	vst v63  }
0x34: {  	s17 =	simm.s32 $0x580  }
0x35: {  	[spmem:s1] =	stream.indirect.scatter.add.f32 [tilespmem:s8], [sflag:$0x1], $0x1, s17, s7, $0xb8;
	[tilespmem:$0x6A78] =	vst v63  }
0x36: {  	s18 =	simm.s32 $0x600  }
0x37: {  	[spmem:s1] =	stream.indirect.scatter.add.f32 [tilespmem:s8], [sflag:$0x1], $0x1, s18, s7, $0xb8;
	[tilespmem:$0x6A78] =	vst v63  }
0x38: {  	s19 =	simm.s32 $0x680  }
0x39: {  	[spmem:s1] =	stream.indirect.scatter.add.f32 [tilespmem:s8], [sflag:$0x1], $0x1, s19, s7, $0xb8;
	[tilespmem:$0x6A78] =	vst v63  }
0x3a: {  	s20 =	simm.s32 $0x700  }
0x3b: {  	[spmem:s1] =	stream.indirect.scatter.add.f32 [tilespmem:s8], [sflag:$0x1], $0x1, s20, s7, $0xb8;
	[tilespmem:$0x6A78] =	vst v63  }
0x3c: {  	s21 =	simm.s32 $0x780  }
0x3d: {  	[spmem:s1] =	stream.indirect.scatter.add.f32 [tilespmem:s8], [sflag:$0x1], $0x1, s21, s7, $0xb8;
	[tilespmem:$0x6A78] =	vst v63  }
0x3e: {  	s22 =	simm.s32 $0x800  }
0x3f: {  	[spmem:s1] =	stream.indirect.scatter.add.f32 [tilespmem:s8], [sflag:$0x1], $0x1, s22, s7, $0xb8;
	[tilespmem:$0x6A78] =	vst v63  }
0x40: {  	s23 =	simm.s32 $0x880  }
0x41: {  	[spmem:s1] =	stream.indirect.scatter.add.f32 [tilespmem:s8], [sflag:$0x1], $0x1, s23, s7, $0xb8;
	[tilespmem:$0x6A78] =	vst v63  }
0x42: {  	s24 =	simm.s32 $0x900  }
0x43: {  	[spmem:s1] =	stream.indirect.scatter.add.f32 [tilespmem:s8], [sflag:$0x1], $0x1, s24, s7, $0xb8;
	[tilespmem:$0x6A78] =	vst v63  }
0x44: {  	s25 =	simm.s32 $0x980  }
0x45: {  	[spmem:s1] =	stream.indirect.scatter.add.f32 [tilespmem:s8], [sflag:$0x1], $0x1, s25, s7, $0xb8;
	[tilespmem:$0x6A78] =	vst v63  }
0x46: {  	s26 =	simm.s32 $0xA00  }
0x47: {  	[spmem:s1] =	stream.indirect.scatter.add.f32 [tilespmem:s8], [sflag:$0x1], $0x1, s26, s7, $0xb8;
	[tilespmem:$0x6A78] =	vst v63  }
0x48: {  	s28 =	simm.s32 $0xA80  }
0x49: {  	[spmem:s1] =	stream.indirect.scatter.add.f32 [tilespmem:s8], [sflag:$0x1], $0x1, s28, s7, $0xb8;
	[tilespmem:$0x6A78] =	vst v63  }
0x4a: {  	s29 =	simm.s32 $0xB00  }
0x4b: {  	[spmem:s1] =	stream.indirect.scatter.add.f32 [tilespmem:s8], [sflag:$0x1], $0x1, s29, s7, $0xb8;
	[tilespmem:$0x6A78] =	vst v63  }
0x4c: {  	s30 =	simm.s32 $0xB80  }
0x4d: {  	[spmem:s1] =	stream.indirect.scatter.add.f32 [tilespmem:s8], [sflag:$0x1], $0x1, s30, s7, $0xb8;
	[tilespmem:$0x6A78] =	vst v63  }
0x4e: {  	s31 =	simm.s32 $0xC00  }
0x4f: {  	[spmem:s1] =	stream.indirect.scatter.add.f32 [tilespmem:s8], [sflag:$0x1], $0x1, s31, s7, $0xb8;
	[tilespmem:$0x6A78] =	vst v63  }
0x50: {  	_ =	swait.ge [sflag:s9], $0x50  }
0x51: {  	[sflag:s9] =	ssyncset.done $0x0  }
0x52: {  	[sflag:s9] =	ssyncadd.s32 $0xFFFFFFB0  }
0x53: {  	_ =	swait.ge [sflag:s9], $0x50  }
0x54: {  	[sflag:s9] =	ssyncset.done $0x0  }
0x55: {  	[sflag:s9] =	ssyncadd.s32 $0xFFFFFFB0  }
0x56: {  	_ =	swait.ge [sflag:s9], $0x50  }
0x57: {  	[sflag:s9] =	ssyncset.done $0x0  }
0x58: {  	[sflag:s9] =	ssyncadd.s32 $0xFFFFFFB0  }
0x59: {  	_ =	swait.ge [sflag:s9], $0x50  }
0x5a: {  	[sflag:s9] =	ssyncset.done $0x0  }
0x5b: {  	[sflag:s9] =	ssyncadd.s32 $0xFFFFFFB0  }
0x5c: {  	_ =	swait.ge [sflag:s9], $0x50  }
0x5d: {  	[sflag:s9] =	ssyncset.done $0x0  }
0x5e: {  	[sflag:s9] =	ssyncadd.s32 $0xFFFFFFB0  }
0x5f: {  	_ =	swait.ge [sflag:s9], $0x50  }
0x60: {  	[sflag:s9] =	ssyncset.done $0x0  }
0x61: {  	[sflag:s9] =	ssyncadd.s32 $0xFFFFFFB0  }
0x62: {  	_ =	swait.ge [sflag:s9], $0x50  }
0x63: {  	[sflag:s9] =	ssyncset.done $0x0  }
0x64: {  	[sflag:s9] =	ssyncadd.s32 $0xFFFFFFB0  }
0x65: {  	_ =	swait.ge [sflag:s9], $0x50  }
0x66: {  	[sflag:s9] =	ssyncset.done $0x0  }
0x67: {  	[sflag:s9] =	ssyncadd.s32 $0xFFFFFFB0  }
0x68: {  	_ =	swait.ge [sflag:s9], $0x50  }
0x69: {  	[sflag:s9] =	ssyncset.done $0x0  }
0x6a: {  	[sflag:s9] =	ssyncadd.s32 $0xFFFFFFB0  }
0x6b: {  	_ =	swait.ge [sflag:s9], $0x50  }
0x6c: {  	[sflag:s9] =	ssyncset.done $0x0  }
0x6d: {  	[sflag:s9] =	ssyncadd.s32 $0xFFFFFFB0  }
0x6e: {  	_ =	swait.ge [sflag:s9], $0x50  }
0x6f: {  	[sflag:s9] =	ssyncset.done $0x0  }
0x70: {  	[sflag:s9] =	ssyncadd.s32 $0xFFFFFFB0  }
0x71: {  	_ =	swait.ge [sflag:s9], $0x50  }
0x72: {  	[sflag:s9] =	ssyncset.done $0x0  }
0x73: {  	[sflag:s9] =	ssyncadd.s32 $0xFFFFFFB0  }
0x74: {  	_ =	swait.ge [sflag:s9], $0x50  }
0x75: {  	[sflag:s9] =	ssyncset.done $0x0  }
0x76: {  	[sflag:s9] =	ssyncadd.s32 $0xFFFFFFB0  }
0x77: {  	_ =	swait.ge [sflag:s9], $0x50  }
0x78: {  	[sflag:s9] =	ssyncset.done $0x0  }
0x79: {  	[sflag:s9] =	ssyncadd.s32 $0xFFFFFFB0  }
0x7a: {  	_ =	swait.ge [sflag:s9], $0x50  }
0x7b: {  	[sflag:s9] =	ssyncset.done $0x0  }
0x7c: {  	[sflag:s9] =	ssyncadd.s32 $0xFFFFFFB0  }
0x7d: {  	_ =	swait.ge [sflag:s9], $0x50  }
0x7e: {  	[sflag:s9] =	ssyncset.done $0x0  }
0x7f: {  	[sflag:s9] =	ssyncadd.s32 $0xFFFFFFB0  }
0x80: {  	_ =	swait.ge [sflag:s9], $0x50  }
0x81: {  	[sflag:s9] =	ssyncset.done $0x0  }
0x82: {  	[sflag:s9] =	ssyncadd.s32 $0xFFFFFFB0  }
0x83: {  	_ =	swait.ge [sflag:s9], $0x50  }
0x84: {  	[sflag:s9] =	ssyncset.done $0x0  }
0x85: {  	[sflag:s9] =	ssyncadd.s32 $0xFFFFFFB0  }
0x86: {  	_ =	swait.ge [sflag:s9], $0x50  }
0x87: {  	[sflag:s9] =	ssyncset.done $0x0  }
0x88: {  	[sflag:s9] =	ssyncadd.s32 $0xFFFFFFB0  }
0x89: {  	_ =	swait.ge [sflag:s9], $0x50  }
0x8a: {  	[sflag:s9] =	ssyncset.done $0x0  }
0x8b: {  	[sflag:s9] =	ssyncadd.s32 $0xFFFFFFB0  }
0x8c: {  	_ =	swait.ge [sflag:s9], $0x50  }
0x8d: {  	[sflag:s9] =	ssyncset.done $0x0  }
0x8e: {  	[sflag:s9] =	ssyncadd.s32 $0xFFFFFFB0  }
0x8f: {  	_ =	swait.ge [sflag:s9], $0x50  }
0x90: {  	[sflag:s9] =	ssyncset.done $0x0  }
0x91: {  	[sflag:s9] =	ssyncadd.s32 $0xFFFFFFB0  }
0x92: {  	_ =	swait.ge [sflag:s9], $0x50  }
0x93: {  	[sflag:s9] =	ssyncset.done $0x0  }
0x94: {  	[sflag:s9] =	ssyncadd.s32 $0xFFFFFFB0  }
0x95: {  	_ =	swait.ge [sflag:s9], $0x50  }
0x96: {  	[sflag:s9] =	ssyncset.done $0x0  }
0x97: {  	[sflag:s9] =	ssyncadd.s32 $0xFFFFFFB0  }
0x98: {  	_ =	swait.ge [sflag:s9], $0x50  }
0x99: {  	s11 =	simm.s32 $0x3200;
	s14 =	simm.s32 $0x6400;
	[sflag:s9] =	ssyncset.done $0x0  }
.LBB2_4:
0x9a: {  	s13 =	sshra.s32 s11, $0x2  }
0x9b: {  	[sflag:s9] =	ssyncadd.s32 $0xFFFFFFB0;
	s11 =	smov.u32 s14;
	s12 =	sadd.s32 $0x3200, s14  }
0x9c: {  	[spmem:s1] =	stream.indirect.scatter.add.f32 [tilespmem:s8], [sflag:$0x1], $0x1, s13, s7, $0xb8;
	[tilespmem:$0x6A78] =	vst v63  }
0x9d: {  	p1 =	sne.s32 s14, $0xC800;
	s14 =	sadd.s32 $0x80, s13  }
0x9e: {  	[spmem:s1] =	stream.indirect.scatter.add.f32 [tilespmem:s8], [sflag:$0x1], $0x1, s14, s7, $0xb8;
	[tilespmem:$0x6A78] =	vst v63  }
0x9f: {  	s14 =	sadd.s32 $0x100, s13  }
0xa0: {  	[spmem:s1] =	stream.indirect.scatter.add.f32 [tilespmem:s8], [sflag:$0x1], $0x1, s14, s7, $0xb8;
	[tilespmem:$0x6A78] =	vst v63  }
0xa1: {  	s14 =	sadd.s32 $0x180, s13  }
0xa2: {  	[spmem:s1] =	stream.indirect.scatter.add.f32 [tilespmem:s8], [sflag:$0x1], $0x1, s14, s7, $0xb8;
	[tilespmem:$0x6A78] =	vst v63  }
0xa3: {  	s14 =	sadd.s32 $0x200, s13  }
0xa4: {  	[spmem:s1] =	stream.indirect.scatter.add.f32 [tilespmem:s8], [sflag:$0x1], $0x1, s14, s7, $0xb8;
	[tilespmem:$0x6A78] =	vst v63  }
0xa5: {  	s14 =	sadd.s32 $0x280, s13  }
0xa6: {  	[spmem:s1] =	stream.indirect.scatter.add.f32 [tilespmem:s8], [sflag:$0x1], $0x1, s14, s7, $0xb8;
	[tilespmem:$0x6A78] =	vst v63  }
0xa7: {  	s14 =	sadd.s32 $0x300, s13  }
0xa8: {  	[spmem:s1] =	stream.indirect.scatter.add.f32 [tilespmem:s8], [sflag:$0x1], $0x1, s14, s7, $0xb8;
	[tilespmem:$0x6A78] =	vst v63  }
0xa9: {  	s14 =	sadd.s32 $0x380, s13  }
0xaa: {  	[spmem:s1] =	stream.indirect.scatter.add.f32 [tilespmem:s8], [sflag:$0x1], $0x1, s14, s7, $0xb8;
	[tilespmem:$0x6A78] =	vst v63  }
0xab: {  	s14 =	sadd.s32 $0x400, s13  }
0xac: {  	[spmem:s1] =	stream.indirect.scatter.add.f32 [tilespmem:s8], [sflag:$0x1], $0x1, s14, s7, $0xb8;
	[tilespmem:$0x6A78] =	vst v63  }
0xad: {  	s14 =	sadd.s32 $0x480, s13  }
0xae: {  	[spmem:s1] =	stream.indirect.scatter.add.f32 [tilespmem:s8], [sflag:$0x1], $0x1, s14, s7, $0xb8;
	[tilespmem:$0x6A78] =	vst v63  }
0xaf: {  	s14 =	sadd.s32 $0x500, s13  }
0xb0: {  	[spmem:s1] =	stream.indirect.scatter.add.f32 [tilespmem:s8], [sflag:$0x1], $0x1, s14, s7, $0xb8;
	[tilespmem:$0x6A78] =	vst v63  }
0xb1: {  	s14 =	sadd.s32 $0x580, s13  }
0xb2: {  	[spmem:s1] =	stream.indirect.scatter.add.f32 [tilespmem:s8], [sflag:$0x1], $0x1, s14, s7, $0xb8;
	[tilespmem:$0x6A78] =	vst v63  }
0xb3: {  	s14 =	sadd.s32 $0x600, s13  }
0xb4: {  	[spmem:s1] =	stream.indirect.scatter.add.f32 [tilespmem:s8], [sflag:$0x1], $0x1, s14, s7, $0xb8;
	[tilespmem:$0x6A78] =	vst v63  }
0xb5: {  	s14 =	sadd.s32 $0x680, s13  }
0xb6: {  	[spmem:s1] =	stream.indirect.scatter.add.f32 [tilespmem:s8], [sflag:$0x1], $0x1, s14, s7, $0xb8;
	[tilespmem:$0x6A78] =	vst v63  }
0xb7: {  	s14 =	sadd.s32 $0x700, s13  }
0xb8: {  	[spmem:s1] =	stream.indirect.scatter.add.f32 [tilespmem:s8], [sflag:$0x1], $0x1, s14, s7, $0xb8;
	[tilespmem:$0x6A78] =	vst v63  }
0xb9: {  	s14 =	sadd.s32 $0x780, s13  }
0xba: {  	[spmem:s1] =	stream.indirect.scatter.add.f32 [tilespmem:s8], [sflag:$0x1], $0x1, s14, s7, $0xb8;
	[tilespmem:$0x6A78] =	vst v63  }
0xbb: {  	s14 =	sadd.s32 $0x800, s13  }
0xbc: {  	[spmem:s1] =	stream.indirect.scatter.add.f32 [tilespmem:s8], [sflag:$0x1], $0x1, s14, s7, $0xb8;
	[tilespmem:$0x6A78] =	vst v63  }
0xbd: {  	s14 =	sadd.s32 $0x880, s13  }
0xbe: {  	[spmem:s1] =	stream.indirect.scatter.add.f32 [tilespmem:s8], [sflag:$0x1], $0x1, s14, s7, $0xb8;
	[tilespmem:$0x6A78] =	vst v63  }
0xbf: {  	s14 =	sadd.s32 $0x900, s13  }
0xc0: {  	[spmem:s1] =	stream.indirect.scatter.add.f32 [tilespmem:s8], [sflag:$0x1], $0x1, s14, s7, $0xb8;
	[tilespmem:$0x6A78] =	vst v63  }
0xc1: {  	s14 =	sadd.s32 $0x980, s13  }
0xc2: {  	[spmem:s1] =	stream.indirect.scatter.add.f32 [tilespmem:s8], [sflag:$0x1], $0x1, s14, s7, $0xb8;
	[tilespmem:$0x6A78] =	vst v63  }
0xc3: {  	s14 =	sadd.s32 $0xA00, s13  }
0xc4: {  	[spmem:s1] =	stream.indirect.scatter.add.f32 [tilespmem:s8], [sflag:$0x1], $0x1, s14, s7, $0xb8;
	[tilespmem:$0x6A78] =	vst v63  }
0xc5: {  	s14 =	sadd.s32 $0xA80, s13  }
0xc6: {  	[spmem:s1] =	stream.indirect.scatter.add.f32 [tilespmem:s8], [sflag:$0x1], $0x1, s14, s7, $0xb8;
	[tilespmem:$0x6A78] =	vst v63  }
0xc7: {  	s14 =	sadd.s32 $0xB00, s13  }
0xc8: {  	[spmem:s1] =	stream.indirect.scatter.add.f32 [tilespmem:s8], [sflag:$0x1], $0x1, s14, s7, $0xb8;
	[tilespmem:$0x6A78] =	vst v63  }
0xc9: {  	s14 =	sadd.s32 $0xB80, s13  }
0xca: {  	[spmem:s1] =	stream.indirect.scatter.add.f32 [tilespmem:s8], [sflag:$0x1], $0x1, s14, s7, $0xb8;
	[tilespmem:$0x6A78] =	vst v63  }
0xcb: {  	s13 =	sadd.s32 $0xC00, s13  }
0xcc: {  	[spmem:s1] =	stream.indirect.scatter.add.f32 [tilespmem:s8], [sflag:$0x1], $0x1, s13, s7, $0xb8;
	[tilespmem:$0x6A78] =	vst v63  }
0xcd: {  	_ =	swait.ge [sflag:s9], $0x50  }
0xce: {  	[sflag:s9] =	ssyncset.done $0x0  }
0xcf: {  	[sflag:s9] =	ssyncadd.s32 $0xFFFFFFB0  }
0xd0: {  	_ =	swait.ge [sflag:s9], $0x50  }
0xd1: {  	[sflag:s9] =	ssyncset.done $0x0  }
0xd2: {  	[sflag:s9] =	ssyncadd.s32 $0xFFFFFFB0  }
0xd3: {  	_ =	swait.ge [sflag:s9], $0x50  }
0xd4: {  	[sflag:s9] =	ssyncset.done $0x0  }
0xd5: {  	[sflag:s9] =	ssyncadd.s32 $0xFFFFFFB0  }
0xd6: {  	_ =	swait.ge [sflag:s9], $0x50  }
0xd7: {  	[sflag:s9] =	ssyncset.done $0x0  }
0xd8: {  	[sflag:s9] =	ssyncadd.s32 $0xFFFFFFB0  }
0xd9: {  	_ =	swait.ge [sflag:s9], $0x50  }
0xda: {  	[sflag:s9] =	ssyncset.done $0x0  }
0xdb: {  	[sflag:s9] =	ssyncadd.s32 $0xFFFFFFB0  }
0xdc: {  	_ =	swait.ge [sflag:s9], $0x50  }
0xdd: {  	[sflag:s9] =	ssyncset.done $0x0  }
0xde: {  	[sflag:s9] =	ssyncadd.s32 $0xFFFFFFB0  }
0xdf: {  	_ =	swait.ge [sflag:s9], $0x50  }
0xe0: {  	[sflag:s9] =	ssyncset.done $0x0  }
0xe1: {  	[sflag:s9] =	ssyncadd.s32 $0xFFFFFFB0  }
0xe2: {  	_ =	swait.ge [sflag:s9], $0x50  }
0xe3: {  	[sflag:s9] =	ssyncset.done $0x0  }
0xe4: {  	[sflag:s9] =	ssyncadd.s32 $0xFFFFFFB0  }
0xe5: {  	_ =	swait.ge [sflag:s9], $0x50  }
0xe6: {  	[sflag:s9] =	ssyncset.done $0x0  }
0xe7: {  	[sflag:s9] =	ssyncadd.s32 $0xFFFFFFB0  }
0xe8: {  	_ =	swait.ge [sflag:s9], $0x50  }
0xe9: {  	[sflag:s9] =	ssyncset.done $0x0  }
0xea: {  	[sflag:s9] =	ssyncadd.s32 $0xFFFFFFB0  }
0xeb: {  	_ =	swait.ge [sflag:s9], $0x50  }
0xec: {  	[sflag:s9] =	ssyncset.done $0x0  }
0xed: {  	[sflag:s9] =	ssyncadd.s32 $0xFFFFFFB0  }
0xee: {  	_ =	swait.ge [sflag:s9], $0x50  }
0xef: {  	[sflag:s9] =	ssyncset.done $0x0  }
0xf0: {  	[sflag:s9] =	ssyncadd.s32 $0xFFFFFFB0  }
0xf1: {  	_ =	swait.ge [sflag:s9], $0x50  }
0xf2: {  	[sflag:s9] =	ssyncset.done $0x0  }
0xf3: {  	[sflag:s9] =	ssyncadd.s32 $0xFFFFFFB0  }
0xf4: {  	_ =	swait.ge [sflag:s9], $0x50  }
0xf5: {  	[sflag:s9] =	ssyncset.done $0x0  }
0xf6: {  	[sflag:s9] =	ssyncadd.s32 $0xFFFFFFB0  }
0xf7: {  	_ =	swait.ge [sflag:s9], $0x50  }
0xf8: {  	[sflag:s9] =	ssyncset.done $0x0  }
0xf9: {  	[sflag:s9] =	ssyncadd.s32 $0xFFFFFFB0  }
0xfa: {  	_ =	swait.ge [sflag:s9], $0x50  }
0xfb: {  	[sflag:s9] =	ssyncset.done $0x0  }
0xfc: {  	[sflag:s9] =	ssyncadd.s32 $0xFFFFFFB0  }
0xfd: {  	_ =	swait.ge [sflag:s9], $0x50  }
0xfe: {  	[sflag:s9] =	ssyncset.done $0x0  }
0xff: {  	[sflag:s9] =	ssyncadd.s32 $0xFFFFFFB0  }
0x100: {  	_ =	swait.ge [sflag:s9], $0x50  }
0x101: {  	[sflag:s9] =	ssyncset.done $0x0  }
0x102: {  	[sflag:s9] =	ssyncadd.s32 $0xFFFFFFB0  }
0x103: {  	_ =	swait.ge [sflag:s9], $0x50  }
0x104: {  	[sflag:s9] =	ssyncset.done $0x0  }
0x105: {  	[sflag:s9] =	ssyncadd.s32 $0xFFFFFFB0  }
0x106: {  	_ =	swait.ge [sflag:s9], $0x50  }
0x107: {  	[sflag:s9] =	ssyncset.done $0x0  }
0x108: {  	[sflag:s9] =	ssyncadd.s32 $0xFFFFFFB0  }
0x109: {  	_ =	swait.ge [sflag:s9], $0x50  }
0x10a: {  	[sflag:s9] =	ssyncset.done $0x0  }
0x10b: {  	[sflag:s9] =	ssyncadd.s32 $0xFFFFFFB0  }
0x10c: {  	_ =	swait.ge [sflag:s9], $0x50  }
0x10d: {  	[sflag:s9] =	ssyncset.done $0x0  }
0x10e: {  	[sflag:s9] =	ssyncadd.s32 $0xFFFFFFB0  }
0x10f: {  	_ =	swait.ge [sflag:s9], $0x50  }
0x110: {  	[sflag:s9] =	ssyncset.done $0x0  }
0x111: {  	[sflag:s9] =	ssyncadd.s32 $0xFFFFFFB0  }
.Ltmp1:
0x112: {  	_ =	swait.ge [sflag:s9], $0x50;
	(pc) =	sbr.rel @p1 .LBB2_4-.Ltmp1, $4  }
0x113: {  	[sflag:s9] =	ssyncset.done $0x0  }
0x114: {  	[sflag:s9] =	ssyncadd.s32 $0xFFFFFFB0  }
0x115: {  	_ =	swait.ge [sflag:s9], $0x50  }
0x116: {  	s14 =	smov.u32 s12;
	[sflag:s9] =	ssyncset.done $0x0  }
0x117: {  	s11 =	sshra.s32 s11, $0x2;
	[sflag:s9] =	ssyncadd.s32 $0xFFFFFFB0  }
0x118: {  	[spmem:s1] =	stream.indirect.scatter.add.f32 [tilespmem:s8], [sflag:$0x1], $0x1, s11, s7, $0xb8;
	[tilespmem:$0x6A78] =	vst v63  }
0x119: {  	s12 =	sadd.s32 $0x80, s11  }
0x11a: {  	[spmem:s1] =	stream.indirect.scatter.add.f32 [tilespmem:s8], [sflag:$0x1], $0x1, s12, s7, $0xb8;
	[tilespmem:$0x6A78] =	vst v63  }
0x11b: {  	s28 =	sadd.s32 $0x100, s11  }
0x11c: {  	[spmem:s1] =	stream.indirect.scatter.add.f32 [tilespmem:s8], [sflag:$0x1], $0x1, s28, s7, $0xb8;
	[tilespmem:$0x6A78] =	vst v63  }
0x11d: {  	s29 =	sadd.s32 $0x180, s11  }
0x11e: {  	[spmem:s1] =	stream.indirect.scatter.add.f32 [tilespmem:s8], [sflag:$0x1], $0x1, s29, s7, $0xb8;
	[tilespmem:$0x6A78] =	vst v63  }
0x11f: {  	s30 =	sadd.s32 $0x200, s11  }
0x120: {  	[spmem:s1] =	stream.indirect.scatter.add.f32 [tilespmem:s8], [sflag:$0x1], $0x1, s30, s7, $0xb8;
	[tilespmem:$0x6A78] =	vst v63  }
0x121: {  	s31 =	sadd.s32 $0x280, s11  }
0x122: {  	[spmem:s1] =	stream.indirect.scatter.add.f32 [tilespmem:s8], [sflag:$0x1], $0x1, s31, s7, $0xb8;
	[tilespmem:$0x6A78] =	vst v63  }
0x123: {  	s13 =	sadd.s32 $0x300, s11  }
0x124: {  	[spmem:s1] =	stream.indirect.scatter.add.f32 [tilespmem:s8], [sflag:$0x1], $0x1, s13, s7, $0xb8;
	[tilespmem:$0x6A78] =	vst v63  }
0x125: {  	s14 =	sadd.s32 $0x380, s11  }
0x126: {  	[spmem:s1] =	stream.indirect.scatter.add.f32 [tilespmem:s8], [sflag:$0x1], $0x1, s14, s7, $0xb8;
	[tilespmem:$0x6A78] =	vst v63  }
0x127: {  	s15 =	sadd.s32 $0x400, s11  }
0x128: {  	[spmem:s1] =	stream.indirect.scatter.add.f32 [tilespmem:s8], [sflag:$0x1], $0x1, s15, s7, $0xb8;
	[tilespmem:$0x6A78] =	vst v63  }
0x129: {  	s16 =	sadd.s32 $0x480, s11  }
0x12a: {  	[spmem:s1] =	stream.indirect.scatter.add.f32 [tilespmem:s8], [sflag:$0x1], $0x1, s16, s7, $0xb8;
	[tilespmem:$0x6A78] =	vst v63  }
0x12b: {  	s17 =	sadd.s32 $0x500, s11  }
0x12c: {  	[spmem:s1] =	stream.indirect.scatter.add.f32 [tilespmem:s8], [sflag:$0x1], $0x1, s17, s7, $0xb8;
	[tilespmem:$0x6A78] =	vst v63  }
0x12d: {  	s18 =	sadd.s32 $0x580, s11  }
0x12e: {  	[spmem:s1] =	stream.indirect.scatter.add.f32 [tilespmem:s8], [sflag:$0x1], $0x1, s18, s7, $0xb8;
	[tilespmem:$0x6A78] =	vst v63  }
0x12f: {  	s19 =	sadd.s32 $0x600, s11  }
0x130: {  	[spmem:s1] =	stream.indirect.scatter.add.f32 [tilespmem:s8], [sflag:$0x1], $0x1, s19, s7, $0xb8;
	[tilespmem:$0x6A78] =	vst v63  }
0x131: {  	s20 =	sadd.s32 $0x680, s11  }
0x132: {  	[spmem:s1] =	stream.indirect.scatter.add.f32 [tilespmem:s8], [sflag:$0x1], $0x1, s20, s7, $0xb8;
	[tilespmem:$0x6A78] =	vst v63  }
0x133: {  	s21 =	sadd.s32 $0x700, s11  }
0x134: {  	[spmem:s1] =	stream.indirect.scatter.add.f32 [tilespmem:s8], [sflag:$0x1], $0x1, s21, s7, $0xb8;
	[tilespmem:$0x6A78] =	vst v63  }
0x135: {  	s22 =	sadd.s32 $0x780, s11  }
0x136: {  	[spmem:s1] =	stream.indirect.scatter.add.f32 [tilespmem:s8], [sflag:$0x1], $0x1, s22, s7, $0xb8;
	[tilespmem:$0x6A78] =	vst v63  }
0x137: {  	s23 =	sadd.s32 $0x800, s11  }
0x138: {  	[spmem:s1] =	stream.indirect.scatter.add.f32 [tilespmem:s8], [sflag:$0x1], $0x1, s23, s7, $0xb8;
	[tilespmem:$0x6A78] =	vst v63  }
0x139: {  	s24 =	sadd.s32 $0x880, s11  }
0x13a: {  	[spmem:s1] =	stream.indirect.scatter.add.f32 [tilespmem:s8], [sflag:$0x1], $0x1, s24, s7, $0xb8;
	[tilespmem:$0x6A78] =	vst v63  }
0x13b: {  	s25 =	sadd.s32 $0x900, s11  }
0x13c: {  	[spmem:s1] =	stream.indirect.scatter.add.f32 [tilespmem:s8], [sflag:$0x1], $0x1, s25, s7, $0xb8;
	[tilespmem:$0x6A78] =	vst v63  }
0x13d: {  	s26 =	sadd.s32 $0x980, s11  }
0x13e: {  	[spmem:s1] =	stream.indirect.scatter.add.f32 [tilespmem:s8], [sflag:$0x1], $0x1, s26, s7, $0xb8;
	[tilespmem:$0x6A78] =	vst v63  }
0x13f: {  	s28 =	sadd.s32 $0xA00, s11  }
0x140: {  	[spmem:s1] =	stream.indirect.scatter.add.f32 [tilespmem:s8], [sflag:$0x1], $0x1, s28, s7, $0xb8;
	[tilespmem:$0x6A78] =	vst v63  }
0x141: {  	s29 =	sadd.s32 $0xA80, s11  }
0x142: {  	[spmem:s1] =	stream.indirect.scatter.add.f32 [tilespmem:s8], [sflag:$0x1], $0x1, s29, s7, $0xb8;
	[tilespmem:$0x6A78] =	vst v63  }
0x143: {  	s30 =	sadd.s32 $0xB00, s11  }
0x144: {  	[spmem:s1] =	stream.indirect.scatter.add.f32 [tilespmem:s8], [sflag:$0x1], $0x1, s30, s7, $0xb8;
	[tilespmem:$0x6A78] =	vst v63  }
0x145: {  	s31 =	sadd.s32 $0xB80, s11  }
0x146: {  	[spmem:s1] =	stream.indirect.scatter.add.f32 [tilespmem:s8], [sflag:$0x1], $0x1, s31, s7, $0xb8;
	[tilespmem:$0x6A78] =	vst v63  }
0x147: {  	s11 =	sadd.s32 $0xC00, s11  }
0x148: {  	[spmem:s1] =	stream.indirect.scatter.add.f32 [tilespmem:s8], [sflag:$0x1], $0x1, s11, s7, $0xb8;
	[tilespmem:$0x6A78] =	vst v63  }
0x149: {  	_ =	swait.ge [sflag:s9], $0x50  }
0x14a: {  	[sflag:s9] =	ssyncset.done $0x0  }
0x14b: {  	[sflag:s9] =	ssyncadd.s32 $0xFFFFFFB0  }
0x14c: {  	_ =	swait.ge [sflag:s9], $0x50  }
0x14d: {  	[sflag:s9] =	ssyncset.done $0x0  }
0x14e: {  	[sflag:s9] =	ssyncadd.s32 $0xFFFFFFB0  }
0x14f: {  	_ =	swait.ge [sflag:s9], $0x50  }
0x150: {  	[sflag:s9] =	ssyncset.done $0x0  }
0x151: {  	[sflag:s9] =	ssyncadd.s32 $0xFFFFFFB0  }
0x152: {  	_ =	swait.ge [sflag:s9], $0x50  }
0x153: {  	[sflag:s9] =	ssyncset.done $0x0  }
0x154: {  	[sflag:s9] =	ssyncadd.s32 $0xFFFFFFB0  }
0x155: {  	_ =	swait.ge [sflag:s9], $0x50  }
0x156: {  	[sflag:s9] =	ssyncset.done $0x0  }
0x157: {  	[sflag:s9] =	ssyncadd.s32 $0xFFFFFFB0  }
0x158: {  	_ =	swait.ge [sflag:s9], $0x50  }
0x159: {  	[sflag:s9] =	ssyncset.done $0x0  }
0x15a: {  	[sflag:s9] =	ssyncadd.s32 $0xFFFFFFB0  }
0x15b: {  	_ =	swait.ge [sflag:s9], $0x50  }
0x15c: {  	[sflag:s9] =	ssyncset.done $0x0  }
0x15d: {  	[sflag:s9] =	ssyncadd.s32 $0xFFFFFFB0  }
0x15e: {  	_ =	swait.ge [sflag:s9], $0x50  }
0x15f: {  	[sflag:s9] =	ssyncset.done $0x0  }
0x160: {  	[sflag:s9] =	ssyncadd.s32 $0xFFFFFFB0  }
0x161: {  	_ =	swait.ge [sflag:s9], $0x50  }
0x162: {  	[sflag:s9] =	ssyncset.done $0x0  }
0x163: {  	[sflag:s9] =	ssyncadd.s32 $0xFFFFFFB0  }
0x164: {  	_ =	swait.ge [sflag:s9], $0x50  }
0x165: {  	[sflag:s9] =	ssyncset.done $0x0  }
0x166: {  	[sflag:s9] =	ssyncadd.s32 $0xFFFFFFB0  }
0x167: {  	_ =	swait.ge [sflag:s9], $0x50  }
0x168: {  	[sflag:s9] =	ssyncset.done $0x0  }
0x169: {  	[sflag:s9] =	ssyncadd.s32 $0xFFFFFFB0  }
0x16a: {  	_ =	swait.ge [sflag:s9], $0x50  }
0x16b: {  	[sflag:s9] =	ssyncset.done $0x0  }
0x16c: {  	[sflag:s9] =	ssyncadd.s32 $0xFFFFFFB0  }
0x16d: {  	_ =	swait.ge [sflag:s9], $0x50  }
0x16e: {  	[sflag:s9] =	ssyncset.done $0x0  }
0x16f: {  	[sflag:s9] =	ssyncadd.s32 $0xFFFFFFB0  }
0x170: {  	_ =	swait.ge [sflag:s9], $0x50  }
0x171: {  	[sflag:s9] =	ssyncset.done $0x0  }
0x172: {  	[sflag:s9] =	ssyncadd.s32 $0xFFFFFFB0  }
0x173: {  	_ =	swait.ge [sflag:s9], $0x50  }
0x174: {  	[sflag:s9] =	ssyncset.done $0x0  }
0x175: {  	[sflag:s9] =	ssyncadd.s32 $0xFFFFFFB0  }
0x176: {  	_ =	swait.ge [sflag:s9], $0x50  }
0x177: {  	[sflag:s9] =	ssyncset.done $0x0  }
0x178: {  	[sflag:s9] =	ssyncadd.s32 $0xFFFFFFB0  }
0x179: {  	_ =	swait.ge [sflag:s9], $0x50  }
0x17a: {  	[sflag:s9] =	ssyncset.done $0x0  }
0x17b: {  	[sflag:s9] =	ssyncadd.s32 $0xFFFFFFB0  }
0x17c: {  	_ =	swait.ge [sflag:s9], $0x50  }
0x17d: {  	[sflag:s9] =	ssyncset.done $0x0  }
0x17e: {  	[sflag:s9] =	ssyncadd.s32 $0xFFFFFFB0  }
0x17f: {  	_ =	swait.ge [sflag:s9], $0x50  }
0x180: {  	[sflag:s9] =	ssyncset.done $0x0  }
0x181: {  	[sflag:s9] =	ssyncadd.s32 $0xFFFFFFB0  }
0x182: {  	_ =	swait.ge [sflag:s9], $0x50  }
0x183: {  	[sflag:s9] =	ssyncset.done $0x0  }
0x184: {  	[sflag:s9] =	ssyncadd.s32 $0xFFFFFFB0  }
0x185: {  	_ =	swait.ge [sflag:s9], $0x50  }
0x186: {  	[sflag:s9] =	ssyncset.done $0x0  }
0x187: {  	[sflag:s9] =	ssyncadd.s32 $0xFFFFFFB0  }
0x188: {  	_ =	swait.ge [sflag:s9], $0x50  }
0x189: {  	[sflag:s9] =	ssyncset.done $0x0  }
0x18a: {  	[sflag:s9] =	ssyncadd.s32 $0xFFFFFFB0  }
0x18b: {  	_ =	swait.ge [sflag:s9], $0x50  }
0x18c: {  	[sflag:s9] =	ssyncset.done $0x0  }
0x18d: {  	[sflag:s9] =	ssyncadd.s32 $0xFFFFFFB0  }
0x18e: {  	_ =	swait.ge [sflag:s9], $0x50  }
0x18f: {  	[sflag:s9] =	ssyncset.done $0x0  }
0x190: {  	[sflag:s9] =	ssyncadd.s32 $0xFFFFFFB0  }
0x191: {  	_ =	swait.ge [sflag:s9], $0x50  }
0x192: {  	[sflag:s9] =	ssyncset.done $0x0  }
0x193: {  	[sflag:s9] =	ssyncadd.s32 $0xFFFFFFB0  }
0x194: {  	s12 =	simm.s32 @!p0 $0x2;
	s11 =	simm.s32 @!p0 $0x4080;
	[bflag:$0x0] =	sbarrier.arrive $0xFFFF  }
0x195: {  	[tilespmem:s11], [sflag:$0x2] =	stream.linear.gather @!p0 [spmem:s1], $0x2780, $0x38;
	[tilespmem:$0x6A78] =	vst v63  }
0x196: {  	s10 =	sadd.s32 $0x1, s10;
	_ =	swait.ge @!p0 [sflag:s12], $0x2780  }
0x197: {  	p1 =	sne.s32 s10, s5;
	[sflag:s12] =	ssyncset.done @!p0 $0x0  }
.Ltmp2:
0x198: {  	s13 =	simm.s32 @!p0 $0x0;
	[sflag:s12] =	ssyncadd.s32 @!p0 $0xFFFFD880;
	(pc) =	sbr.rel @p1 .LBB2_1-.Ltmp2, $4  }
0x199: {  	[hbm4b:s4+s13] =	stream.linear.scatter @!p0 [tilespmem:s11], [sflag:$0x2], $0x2710, $0x38;
	[tilespmem:$0x6A78] =	vst v63  }
0x19a: {  	_ =	swait.ge @!p0 [sflag:s12], $0x2710  }
0x19b: {  	[sflag:s12] =	ssyncset.done @!p0 $0x0  }
0x19c: {  	[sflag:s12] =	ssyncadd.s32 @!p0 $0xFFFFD8F0  }
0x19d: {  	_ =	sfence.sel $0x180000  }
0x19e: {  	[bflag:$0x0] =	sbarrier.arrive $0xFFFF  }
0x19f: {  	_ =	strace $0x90000047  }
0x1a0: {  	s0 =	sadd.s32 @!p0 $0x100000, s0;
	[bflag:$0x2] =	sbarrier.arrive $0xFFFF  }
0x1a1: {  	[sflag:s0] =	ssyncadd.tile.s32 @!p0 $0x1;
	_ =	shalt  }
.Lfunc_end2:
_tile_overlayer_lowered:
.L_overlay_start_2:
0x1a2: {  	(tag) =	ssettag $0x2  }
0x1a3: {  	s0 =	rddreg [dreg:$0x0];
	s2 =	stileid.u32  }
0x1a4: {  	s1 =	rddreg [dreg:$0x1];
	p0 =	sne.s32 s2, $0x0  }
0x1a5: {  	s3 =	rddreg [dreg:$0x2];
	[bflag:$0x3] =	sbarrier.arrive $0xFFFF;
	s2 =	simm.s32 @!p0 $0x1C02  }
0x1a6: {  	[timem:s3], [sflag:s2] =	dma.local @!p0 [hbm:s0], s1  }
0x1a7: {  	s0 =	simm.s32 @!p0 $0x2  }
0x1a8: {  	_ =	swait.ge @!p0 [sflag:s0], s1  }
0x1a9: {  	s1 =	ssub.s32 @!p0 $0x0, s1;
	[sflag:s0] =	ssyncset.done @!p0 $0x0  }
0x1aa: {  	[sflag:s0] =	ssyncadd.s32 @!p0 s1  }
0x1ab: {  	[bflag:$0x3] =	sbarrier.arrive $0xFFFF  }
0x1ac: {  	_ =	shalt  }

// kernel: kernel.9.cloned.1.call-start
scs
__scs_entry_jumppad:
0x0: {  	(pc) =	sbr.rel $0x88, $3  }
0x1: {  	(tag) =	ssettag $0x0;
	lr =	simm.s32 $0x1  }
0x2: {  	[smem:$0x3F9D] =	sst lr;
	_ =	strace $0xD0000000  }
0x3: {  	_ = 	snop  }
0x4: {  	_ = 	snop  }
0x5: {  	_ = 	snop  }
0x6: {  	_ = 	snop  }
0x7: {  	_ = 	snop  }
__scs_overlays_trampoline_lowered:
0x8: {  	[smem:$0x3FAC] =	sst s0  }
0x9: {  	[smem:$0x3FAD] =	sst s1  }
0xa: {  	[smem:$0x3FAE] =	sst s2  }
0xb: {  	[smem:$0x3FAF] =	sst s3  }
0xc: {  	[smem:$0x3FB0] =	sst s4  }
0xd: {  	[smem:$0x3FB1] =	sst s5  }
0xe: {  	[smem:$0x3FB2] =	sst s6  }
0xf: {  	[smem:$0x3FB3] =	sst s7  }
0x10: {  	[smem:$0x3FB4] =	sst s8  }
0x11: {  	[smem:$0x3FB5] =	sst s9;
	s0 =	simm.s32 @!p0 $0x0  }
0x12: {  	s1 =	sld [smem:$0x3F9B];
	s0 =	simm.s32 @p0 $0x1  }
0x13: {  	[smem:$0x3FB6] =	sst s0;
	s0 =	simm.s32 @!p1 $0x0  }
0x14: {  	s2 =	sld [smem:$0x3F9A];
	s0 =	simm.s32 @p1 $0x1  }
0x15: {  	[smem:$0x3FB7] =	sst s0;
	s0 =	simm.s32 @!p2 $0x0  }
0x16: {  	s3 =	sld [smem:$0x3FDB];
	s0 =	simm.s32 @p2 $0x1  }
0x17: {  	s4 =	simm.s32 $0x1BF5;
	[smem:$0x3FB9] =	sst s0  }
0x18: {  	s0 =	sld [smem:$0x3F9C];
	_ =	swait.ge [sflag:s4], $0x0  }
0x19: {  	s7 =	sld [smem:$0x3F9D]  }
0x1a: {  	s8 =	sadd.s32 $0xFFFFE003, lr  }
0x1b: {  	s9 =	sadd.s32 $0xFFFFFEF7, lr;
	s5 =	simm.s32 $0xFFFFFFFF;
	p2 =	slt.u32 s8, $0xFFFFF086  }
0x1c: {  	p1 =	slt.u32 s9, $0xF7A;
	s5 =	simm.s32 @!p2 $0x0  }
0x1d: {  	s5 =	simm.s32 @p1 $0x1;
	p0 =	seq.s32 s7, s2  }
0x1e: {  	s7 =	smul.u32 @!p0 $0xF7A, s2;
	p2 =	seq.s32 @!p0 s5, $0x0  }
0x1f: {  	s9 =	smul.u32 $0xF7A, s1;
	s8 =	simm.s32 @!p0 $0x1BF5;
	p2 =	por !p2, p0  }
0x20: {  	[sflag:s8] =	ssyncset.s32 @!p0 $0xFFFFF086;
	s6 =	sadd.s32 @!p0 s3, s7;
	s7 =	simm.s32 @!p0 $0x108  }
0x21: {  	s3 =	sadd.s32 s3, s9;
	s6 =	sadd.s32 @!p0 $0x88, s6;
	s7 =	simm.s32 @p2 $0x1082  }
0x22: {  	[simem:s7], [sflag:s8] =	dma.local @!p0 [hbm:s6], $0xF7A  }
0x23: {  	s9 =	sor.u32 $0xD0000000, s2;
	s6 =	simm.s32 $0x108;
	_ =	swait.ge @!p0 [sflag:s8], $0x0  }
0x24: {  	s3 =	sadd.s32 $0x88, s3;
	s6 =	simm.s32 @!p1 $0x1082;
	[sflag:s4] =	ssyncset.s32 $0xFFFFF086  }
0x25: {  	[simem:s6], [sflag:s4] =	dma.local [hbm:s3], $0xF7A  }
0x26: {  	[smem:$0x3F9D] =	sst s1;
	(tag) =	ssettag s2;
	_ =	strace s9  }
0x27: {  	s1 =	sld [smem:$0x3FAD]  }
0x28: {  	s2 =	sld [smem:$0x3FAE]  }
0x29: {  	s4 =	sld [smem:$0x3FB0]  }
0x2a: {  	p0 =	seq.s32 s5, $0x0;
	s5 =	sld [smem:$0x3FB1]  }
0x2b: {  	s6 =	sld [smem:$0x3FB2]  }
0x2c: {  	s7 =	sld [smem:$0x3FB3]  }
0x2d: {  	s3 =	simm.s32 $0x108;
	s8 =	sld [smem:$0x3FB4]  }
0x2e: {  	s3 =	simm.s32 @!p0 $0x1082;
	s9 =	sld [smem:$0x3FB5]  }
0x2f: {  	lr =	sadd.s32 s0, s3;
	s0 =	sld [smem:$0x3FAC]  }
0x30: {  	s3 =	sld [smem:$0x3FAF]  }
0x31: {  	[smem:$0x3FB8] =	sst s10  }
0x32: {  	s10 =	sld [smem:$0x3FB6];
	_ =	sdelay $0x3  }
0x33: {  	p0 =	seq.s32 s10, $0x1;
	s10 =	sld [smem:$0x3FB8];
	_ =	sdelay $0x3  }
0x34: {  	[smem:$0x3FB8] =	sst s10  }
0x35: {  	s10 =	sld [smem:$0x3FB7];
	_ =	sdelay $0x3  }
0x36: {  	p1 =	seq.s32 s10, $0x1;
	s10 =	sld [smem:$0x3FB8];
	_ =	sdelay $0x3  }
0x37: {  	[smem:$0x3FB8] =	sst s10  }
0x38: {  	s10 =	sld [smem:$0x3FB9]  }
0x39: {  	_ = 	snop;
	(pc) =	sbr.ind lr, $3  }
0x3a: {  	_ = 	snop  }
0x3b: {  	_ = 	snop  }
0x3c: {  	p2 =	seq.s32 s10, $0x1;
	s10 =	sld [smem:$0x3FB8]  }
0x3d: {  	_ =	shalt  }
0x3e: {  	_ =	shalt  }
0x3f: {  	_ =	shalt  }
0x40: {  	_ =	shalt  }
0x41: {  	_ =	shalt  }
0x42: {  	_ =	shalt  }
0x43: {  	_ =	shalt  }
0x44: {  	_ =	shalt  }
0x45: {  	_ =	shalt  }
0x46: {  	_ =	shalt  }
0x47: {  	_ =	shalt  }
0x48: {  	_ =	shalt  }
0x49: {  	_ =	shalt  }
0x4a: {  	_ =	shalt  }
0x4b: {  	_ =	shalt  }
0x4c: {  	_ =	shalt  }
0x4d: {  	_ =	shalt  }
0x4e: {  	_ =	shalt  }
0x4f: {  	_ =	shalt  }
0x50: {  	_ =	shalt  }
0x51: {  	_ =	shalt  }
0x52: {  	_ =	shalt  }
0x53: {  	_ =	shalt  }
0x54: {  	_ =	shalt  }
0x55: {  	_ =	shalt  }
0x56: {  	_ =	shalt  }
0x57: {  	_ =	shalt  }
0x58: {  	_ =	shalt  }
0x59: {  	_ =	shalt  }
0x5a: {  	_ =	shalt  }
0x5b: {  	_ =	shalt  }
0x5c: {  	_ =	shalt  }
0x5d: {  	_ =	shalt  }
0x5e: {  	_ =	shalt  }
0x5f: {  	_ =	shalt  }
0x60: {  	_ =	shalt  }
0x61: {  	_ =	shalt  }
0x62: {  	_ =	shalt  }
0x63: {  	_ =	shalt  }
0x64: {  	_ =	shalt  }
0x65: {  	_ =	shalt  }
0x66: {  	_ =	shalt  }
0x67: {  	_ =	shalt  }
0x68: {  	_ =	shalt  }
0x69: {  	_ =	shalt  }
0x6a: {  	_ =	shalt  }
0x6b: {  	_ =	shalt  }
0x6c: {  	_ =	shalt  }
0x6d: {  	_ =	shalt  }
0x6e: {  	_ =	shalt  }
0x6f: {  	_ =	shalt  }
0x70: {  	_ =	shalt  }
0x71: {  	_ =	shalt  }
0x72: {  	_ =	shalt  }
0x73: {  	_ =	shalt  }
0x74: {  	_ =	shalt  }
0x75: {  	_ =	shalt  }
0x76: {  	_ =	shalt  }
0x77: {  	_ =	shalt  }
0x78: {  	_ =	shalt  }
0x79: {  	_ =	shalt  }
0x7a: {  	_ =	shalt  }
0x7b: {  	_ =	shalt  }
0x7c: {  	_ =	shalt  }
0x7d: {  	_ =	shalt  }
0x7e: {  	_ =	shalt  }
0x7f: {  	_ =	shalt  }
0x80: {  	_ =	shalt  }
0x81: {  	_ =	shalt  }
0x82: {  	_ =	shalt  }
0x83: {  	_ =	shalt  }
0x84: {  	_ =	shalt  }
0x85: {  	_ =	shalt  }
0x86: {  	_ =	shalt  }
0x87: {  	_ =	shalt  }
.Lfunc_end0:
.L_simem_size_0:
called_computation.1_lowered:
.L_overlay_start_0:
0x88: {  	s2 =	sld [smem:$0x3FD9]  }
0x89: {  	s3 =	sld [smem:$0x3FFE];
	_ =	sdelay $0x1  }
0x8a: {  	s1 =	srdreg.scid  }
0x8b: {  	s0 =	sand.u32 $0x1, s1  }
0x8c: {  	s17 =	sshll.u32 s0, $0xA;
	s2 =	sadd.s32 s3, s2  }
0x8d: {  	s2 =	sadd.s32 s2, s17  }
0x8e: {  	[smem:$0x3FC4] =	sst s2  }
0x8f: {  	_ = 	snop  }
0x90: {  	s2 =	sld [smem:$0x3FD0];
	(tm) =	ssettm $0x1  }
0x91: {  	s18 =	sld [smem:$0x3FFB];
	_ =	sdelay $0x3  }
0x92: {  	_ =	strace s18  }
0x93: {  	s3 =	sld [smem:$0x3FFC];
	_ =	sdelay $0x3  }
0x94: {  	_ =	strace s3  }
0x95: {  	s3 =	sld [smem:$0x3FFD];
	_ =	sdelay $0x3  }
0x96: {  	_ =	strace s3  }
0x97: {  	_ =	strace $0x8FFFFFFF  }
0x98: {  	s19 =	sld [smem:$0x3FDB];
	_ =	sdelay $0x1  }
0x99: {  	s4 =	simm.s32 $_scs_section_size  }
0x9a: {  	s5 =	simm.s32 $_size__tile_overlayer_lowered;
	s6 =	simm.s32 $_tile_overlayer_lowered  }
0x9b: {  	s22 =	simm.s32 $0x1BFF;
	s21 =	sshll.u32 s6, $0x1;
	s3 =	sadd.s32 s4, s19  }
0x9c: {  	s7 =	simm.s32 $0x0;
	s20 =	sshll.u32 s5, $0x1;
	s5 =	sadd.s32 s21, s3  }
0x9d: {  	[timem:s7], [sflag:s22] =	dma.local [hbm:s5], s20  }
0x9e: {  	_ =	swait.ge [sflag:s22], s20  }
0x9f: {  	s4 =	ssub.s32 $0x0, s20;
	[sflag:s22] =	ssyncset.done $0x0  }
0xa0: {  	[sflag:s22] =	ssyncadd.s32 s4;
	_ =	sdelay $0x1  }
0xa1: {  	s23 =	simm.s32 $0x1B8B  }
0xa2: {  	_ =	swait.ge [sflag:s23], $0x1  }
0xa3: {  	[sflag:s23] =	ssyncset.done $0x0  }
0xa4: {  	s25 =	simm.s32 $0x1B8E;
	s24 =	sld [smem:$0x3FFE];
	[sflag:s23] =	ssyncadd.s32 $0xFFFFFFFF  }
0xa5: {  	s26 =	simm.s32 $execute0_lowered;
	[smem:$0x3FD2] =	sst s25  }
0xa6: {  	s5 =	sshll.u32 s26, $0x1;
	_ =	strace $0x80000049;
	[dreg:$0x1] =	wrdreg $0xFFFFFFFF  }
0xa7: {  	s28 =	simm.s32 $_size_execute0_lowered;
	s3 =	sadd.s32 s3, s5;
	[dreg:$0x0] =	wrdreg $0x0  }
0xa8: {  	s5 =	sshll.u32 s28, $0x1;
	[dreg:$0x2] =	wrdreg s3  }
0xa9: {  	[dreg:$0x3] =	wrdreg s5  }
0xaa: {  	[dreg:$0x4] =	wrdreg $0xC0  }
0xab: {  	_ =	task [dreg:s7], $0x5FFFF  }
0xac: {  	[dreg:$0x1] =	wrdreg $0xFFFFFFFF  }
0xad: {  	[dreg:$0x0] =	wrdreg $0x60  }
0xae: {  	[dreg:$0x2] =	wrdreg s24  }
0xaf: {  	[dreg:$0x3] =	wrdreg s2  }
0xb0: {  	[dreg:$0x4] =	wrdreg $0xC6200  }
0xb1: {  	[dreg:$0x5] =	wrdreg $0x9  }
0xb2: {  	_ =	task.clear_ibuf [dreg:s7], $0x6FFFF;
	_ =	strace $0x90000049  }
0xb3: {  	s29 =	simm.s32 $0x9;
	_ =	strace $0x8000004B  }
0xb4: {  	_ =	swait.ge [sflag:s29], $0x1  }
0xb5: {  	[sflag:s29] =	ssyncadd.s32 $0xFFFFFFFF  }
0xb6: {  	_ =	strace $0x9000004B  }
0xb7: {  	_ =	sfence  }
0xb8: {  	s30 =	sld [smem:$0x0];
	_ =	sdelay $0x2  }
0xb9: {  	s31 =	sshll.u32 s1, $0xD;
	s1 =	sshrl.u32 s1, $0x2  }
0xba: {  	s3 =	sand.u32 $0x4000, s31;
	s1 =	sadd.s32 s1, s30  }
0xbb: {  	s0 =	sor.u32 s3, s0;
	s1 =	sshll.u32 s1, $0x11  }
0xbc: {  	s0 =	sor.u32 s1, s0  }
0xbd: {  	s0 =	sadd.s32 $0x8F2B, s0  }
0xbe: {  	[sflag:s0] =	ssyncadd.remote.s32 $0x1  }
0xbf: {  	_ =	sfence.sel $0xFFFF  }
0xc0: {  	[dreg:$0x0] =	wrdreg $0xFFFFFFFF;
	(pc) =	sbr.abs _section_cstart, $3  }
0xc1: {  	[dreg:$0x1] =	wrdreg $0xFFFFFFFF  }
0xc2: {  	_ =	task.clear_ibuf [dreg:s7], $0x2FFFF;
	_ =	strace $0x9FFFFFFF  }
0xc3: {  	(tm) =	ssettm $0x7FFFFFFF  }
tec
execute0_lowered:
.L_overlay_start_1:
0x0: {  	(tag) =	ssettag $0x1  }
0x1: {  	s0 =	srdreg.scid  }
0x2: {  	s16 =	stileid.u32;
	s0 =	sand.u32 $0x1, s0  }
0x3: {  	s6 =	sor.u32 $0x10, s16;
	s5 =	smul.u32 $0x138800, s0  }
0x4: {  	s2 =	sshll.u32 s16, $0x1;
	s11 =	sor.u32 $0x20, s16;
	s9 =	smul.u32 $0xA000, s6  }
0x5: {  	s2 =	sor.u32 s0, s2;
	s4 =	ssub.s32 $0x2, s0;
	s0 =	smul.u32 $0x2800, s16  }
0x6: {  	s12 =	sor.u32 $0x30, s16;
	s24 =	smul.u32 $0x2800, s11  }
0x7: {  	s13 =	sor.u32 $0x50, s16;
	s25 =	smul.u32 $0x2800, s12  }
0x8: {  	s14 =	sor.u32 $0x60, s16;
	s28 =	smul.u32 $0x2800, s13  }
0x9: {  	s19 =	sor.u32 $0x70, s16;
	s29 =	smul.u32 $0x2800, s14  }
0xa: {  	s3 =	rddreg [dreg:$0x0];
	s1 =	simm.s32 $0x0;
	s30 =	smul.u32 $0x2800, s19  }
0xb: {  	[smem:$0x7FF] =	sst s1;
	s11 =	smul.u32 $0xA000, s11  }
0xc: {  	s12 =	smul.u32 $0xA000, s12;
	p0 =	sgt.u32 s19, $0x7C;
	s20 =	sshrl.u32 s4, $0x1  }
0xd: {  	s2 =	smul.u32 $0x4E2, s2;
	s4 =	ssub.s32 s4, s20;
	s8 =	sadd.s32 s5, s0  }
0xe: {  	s22 =	sadd.s32 s5, s24;
	s23 =	sadd.s32 s5, s25;
	s18 =	sadd.s32 s5, s28  }
0xf: {  	s7 =	sadd.s32 s2, s3;
	s3 =	sadd.s32 $0x15600, s3;
	s2 =	smul.u32 $0x2800, s6  }
0x10: {  	s6 =	sor.u32 $0x40, s16;
	s8 =	sshrl.u32 s8, $0x3;
	s20 =	sshrl.u32 s18, $0x3  }
0x11: {  	s4 =	smax.u32 s4, $0x1;
	s8 =	sadd.s32 s3, s8;
	s26 =	smul.u32 $0x2800, s6  }
0x12: {  	s6 =	smul.u32 $0xA000, s6;
	s10 =	sadd.s32 s5, s2;
	[dreg:$0x4] =	wrdreg s8  }
0x13: {  	s8 =	sshrl.u32 s22, $0x3;
	s22 =	smul.u32 $0xA000, s16;
	s16 =	sshrl.u32 s11, $0x2  }
0x14: {  	s10 =	sshrl.u32 s10, $0x3;
	s8 =	sadd.s32 s3, s8;
	s17 =	sadd.s32 s5, s26  }
0x15: {  	s6 =	sshrl.u32 s6, $0x2;
	s21 =	sadd.s32 s3, s10;
	s10 =	sshrl.u32 s23, $0x3  }
0x16: {  	[dreg:$0x6] =	wrdreg s8;
	s8 =	sshrl.u32 s17, $0x3;
	s23 =	sadd.s32 $0x1A00, s7  }
0x17: {  	s7 =	sadd.s32 $0xB800, s7;
	s17 =	smul.u32 $0xA000, s13;
	[dreg:$0x5] =	wrdreg s21  }
0x18: {  	s15 =	sadd.s32 s3, s10;
	s8 =	sadd.s32 s3, s8;
	s10 =	rddreg [dreg:$0x2]  }
0x19: {  	s21 =	sadd.s32 s5, s29;
	s5 =	sadd.s32 s5, s30;
	[dreg:$0x7] =	wrdreg s15  }
0x1a: {  	[dreg:$0x8] =	wrdreg s8;
	s8 =	sadd.s32 s3, s20;
	s15 =	sshrl.u32 s21, $0x3  }
0x1b: {  	s5 =	sshrl.u32 s5, $0x3;
	s18 =	sadd.s32 s16, s10;
	s21 =	sshrl.u32 s12, $0x2  }
0x1c: {  	s20 =	sadd.s32 s6, s10;
	s0 =	sadd.s32 s0, s10;
	s2 =	sadd.s32 s2, s10  }
0x1d: {  	s13 =	sadd.s32 s24, s10;
	s16 =	sadd.s32 s28, s10;
	[dreg:$0x9] =	wrdreg s8  }
0x1e: {  	s6 =	simm.s32 $0x1;
	s8 =	rddreg [dreg:$0x1];
	s15 =	sadd.s32 s3, s15  }
0x1f: {  	s3 =	sadd.s32 s3, s5;
	s24 =	sshrl.u32 s0, $0x3;
	[dreg:$0xa] =	wrdreg s15  }
0x20: {  	s0 =	simm.s32 $0x4;
	s5 =	simm.s32 $0x9E20;
	[dreg:$0xb] =	wrdreg s3  }
0x21: {  	s3 =	sshrl.u32 s22, $0x2;
	s15 =	sshrl.u32 s9, $0x2;
	s22 =	smul.u32 $0xA000, s14  }
0x22: {  	s9 =	sshrl.u32 s17, $0x2;
	_ =	strace $0x8000004A;
	[dreg:$0xc] =	wrdreg s23  }
0x23: {  	s14 =	sadd.s32 s25, s10;
	s17 =	sadd.s32 s29, s10;
	[dreg:$0xd] =	wrdreg s7  }
0x24: {  	s25 =	sshrl.u32 s2, $0x3;
	s2 =	simm.s32 $0x50;
	[dreg:$0xe] =	wrdreg s4  }
0x25: {  	s3 =	sadd.s32 s3, s10;
	s23 =	smul.u32 $0xA000, s19;
	s19 =	sadd.s32 s21, s10  }
0x26: {  	s21 =	sadd.s32 s9, s10;
	s9 =	sadd.s32 s30, s10;
	s28 =	sshrl.u32 s14, $0x3  }
0x27: {  	s30 =	sshrl.u32 s16, $0x3;
	s31 =	sshrl.u32 s17, $0x3;
	s4 =	simm.s32 $0x7620  }
0x28: {  	s7 =	simm.s32 $0x2;
	[dreg:$0xf] =	wrdreg s3;
	s3 =	sadd.s32 s15, s10  }
0x29: {  	s11 =	sshrl.u32 s22, $0x2;
	s15 =	sadd.s32 s26, s10;
	s26 =	sshrl.u32 s13, $0x3  }
0x2a: {  	s9 =	sshrl.u32 @!p0 s9, $0x3;
	[dreg:$0x10] =	wrdreg s3;
	s12 =	sshrl.u32 s23, $0x2  }
0x2b: {  	s22 =	sadd.s32 s11, s10;
	s29 =	sshrl.u32 s15, $0x3;
	s3 =	simm.s32 $0x4E20  }
0x2c: {  	v0 =	vimm.f32 $0.0e+00;
	s11 =	simm.s32 $0x3;
	s23 =	sadd.s32 s12, s10;
	s12 =	simm.s32 $0x0  }
.LBB2_1:
0x2d: {  	s13 =	rddreg [dreg:$0xc]  }
0x2e: {  	[tilespmem:s1], [sflag:$0x4] =	stream.linear.gather [hbm4b:s13+s1], $0x2710, $0x38;
	[tilespmem:$0x1FEA0] =	vst v63  }
0x2f: {  	_ =	swait.ge [sflag:s0], $0x2710  }
0x30: {  	[sflag:s0] =	ssyncset.done $0x0  }
0x31: {  	s14 =	simm.s32 $0x2710;
	s17 =	rddreg [dreg:$0xd];
	[sflag:s0] =	ssyncadd.s32 $0xFFFFD8F0  }
0x32: {  	[tilespmem:s14], [sflag:$0x4] =	stream.linear.gather [hbm4b:s17+s1], $0x2710, $0x38;
	[tilespmem:$0x1FEA0] =	vst v63  }
0x33: {  	_ =	swait.ge [sflag:s0], $0x2710  }
0x34: {  	[sflag:s0] =	ssyncset.done $0x0  }
0x35: {  	[sflag:s0] =	ssyncadd.s32 $0xFFFFD8F0  }
0x36: {  	[tilespmem:s3], [sflag:$0x1] =	stream.indirect.gather [hbm4b:s8+s2], $0x80, s1, s2, $0xb8;
	[tilespmem:$0x1FEA0] =	vst v63  }
0x37: {  	s13 =	simm.s32 $0x0;
	s14 =	simm.s32 $0x200  }
0x38: {  	[tilespmem:s4], [sflag:$0x2] =	stream.indirect.gather [hbm4b:s8+s2], $0x80, s2, s2, $0xb8;
	[tilespmem:$0x1FEA0] =	vst v63  }
.LBB2_2:
0x39: {  	p1 =	sne.s32 s14, $0x9E00;
	[tilespmem:s13+$0x9E90] =	vst v0  }
0x3a: {  	[tilespmem:s13+$0x9E20] =	vst v0  }
0x3b: {  	[tilespmem:s13+$0x9E30] =	vst v0  }
.Ltmp0:
0x3c: {  	[tilespmem:s13+$0x9E40] =	vst v0;
	(pc) =	sbr.rel @p1 .LBB2_2-.Ltmp0, $4  }
0x3d: {  	[tilespmem:s13+$0x9E50] =	vst v0  }
0x3e: {  	[tilespmem:s13+$0x9E60] =	vst v0  }
0x3f: {  	[tilespmem:s13+$0x9E70] =	vst v0  }
0x40: {  	[tilespmem:s13+$0x9E80] =	vst v0;
	s13 =	sshra.s32 s14, $0x2;
	s14 =	sadd.s32 $0x200, s14  }
0x41: {  	[tilespmem:s13+$0x9E90] =	vst v0  }
0x42: {  	[tilespmem:s13+$0x9E20] =	vst v0  }
0x43: {  	[tilespmem:s13+$0x9E30] =	vst v0  }
0x44: {  	[tilespmem:s13+$0x9E40] =	vst v0  }
0x45: {  	[tilespmem:s13+$0x9E50] =	vst v0  }
0x46: {  	[tilespmem:s13+$0x9E60] =	vst v0  }
0x47: {  	[tilespmem:s13+$0x9E70] =	vst v0  }
0x48: {  	[tilespmem:s13+$0x9E80] =	vst v0;
	s14 =	rddreg [dreg:$0xf]  }
0x49: {  	[spmem:s14] =	stream.linear.scatter [tilespmem:s5], [sflag:$0x4], $0x2800, $0x38;
	[tilespmem:$0x1FEA0] =	vst v63  }
0x4a: {  	_ =	swait.ge [sflag:s0], $0x2800  }
0x4b: {  	[sflag:s0] =	ssyncset.done $0x0  }
0x4c: {  	s15 =	rddreg [dreg:$0x10];
	[sflag:s0] =	ssyncadd.s32 $0xFFFFD800  }
0x4d: {  	[spmem:s15] =	stream.linear.scatter [tilespmem:s5], [sflag:$0x4], $0x2800, $0x38;
	[tilespmem:$0x1FEA0] =	vst v63  }
0x4e: {  	_ =	swait.ge [sflag:s0], $0x2800  }
0x4f: {  	[sflag:s0] =	ssyncset.done $0x0  }
0x50: {  	[sflag:s0] =	ssyncadd.s32 $0xFFFFD800  }
0x51: {  	[spmem:s18] =	stream.linear.scatter [tilespmem:s5], [sflag:$0x4], $0x2800, $0x38;
	[tilespmem:$0x1FEA0] =	vst v63  }
0x52: {  	_ =	swait.ge [sflag:s0], $0x2800  }
0x53: {  	[sflag:s0] =	ssyncset.done $0x0  }
0x54: {  	[sflag:s0] =	ssyncadd.s32 $0xFFFFD800  }
0x55: {  	[spmem:s19] =	stream.linear.scatter [tilespmem:s5], [sflag:$0x4], $0x2800, $0x38;
	[tilespmem:$0x1FEA0] =	vst v63  }
0x56: {  	_ =	swait.ge [sflag:s0], $0x2800  }
0x57: {  	[sflag:s0] =	ssyncset.done $0x0  }
0x58: {  	[sflag:s0] =	ssyncadd.s32 $0xFFFFD800  }
0x59: {  	[spmem:s20] =	stream.linear.scatter [tilespmem:s5], [sflag:$0x4], $0x2800, $0x38;
	[tilespmem:$0x1FEA0] =	vst v63  }
0x5a: {  	_ =	swait.ge [sflag:s0], $0x2800  }
0x5b: {  	[sflag:s0] =	ssyncset.done $0x0  }
0x5c: {  	[sflag:s0] =	ssyncadd.s32 $0xFFFFD800  }
0x5d: {  	[spmem:s21] =	stream.linear.scatter [tilespmem:s5], [sflag:$0x4], $0x2800, $0x38;
	[tilespmem:$0x1FEA0] =	vst v63  }
0x5e: {  	_ =	swait.ge [sflag:s0], $0x2800  }
0x5f: {  	[sflag:s0] =	ssyncset.done $0x0  }
0x60: {  	[sflag:s0] =	ssyncadd.s32 $0xFFFFD800  }
0x61: {  	[spmem:s22] =	stream.linear.scatter [tilespmem:s5], [sflag:$0x4], $0x2800, $0x38;
	[tilespmem:$0x1FEA0] =	vst v63  }
0x62: {  	_ =	swait.ge [sflag:s0], $0x2800  }
0x63: {  	[sflag:s0] =	ssyncset.done $0x0  }
0x64: {  	s13 =	simm.s32 @!p0 $0x9E20;
	[sflag:s0] =	ssyncadd.s32 $0xFFFFD800  }
0x65: {  	[spmem:s23] =	stream.linear.scatter @!p0 [tilespmem:s13], [sflag:$0x4], $0x2800, $0x38;
	[tilespmem:$0x1FEA0] =	vst v63  }
0x66: {  	s13 =	simm.s32 @!p0 $0x4  }
0x67: {  	_ =	swait.ge @!p0 [sflag:s13], $0x2800  }
0x68: {  	[sflag:s13] =	ssyncset.done @!p0 $0x0  }
0x69: {  	[sflag:s13] =	ssyncadd.s32 @!p0 $0xFFFFD800  }
0x6a: {  	s16 =	simm.s32 $0xA0;
	[bflag:$0x0] =	sbarrier.arrive $0xFFFF  }
0x6b: {  	[tilespmem:s5], [sflag:$0x3] =	stream.indirect.gather [hbm4b:s8+s2], $0x80, s16, s2, $0xb8;
	[tilespmem:$0x1FEA0] =	vst v63  }
0x6c: {  	_ =	swait.ge [sflag:s6], $0x2800  }
0x6d: {  	[sflag:s6] =	ssyncset.done $0x0  }
0x6e: {  	s17 =	simm.s32 $0x2710;
	[sflag:s6] =	ssyncadd.s32 $0xFFFFD800  }
0x6f: {  	[spmem:s10] =	stream.indirect.scatter.add.f32 [tilespmem:s3], [sflag:$0x4], $0x80, s17, s2, $0xb8;
	[tilespmem:$0x1FEA0] =	vst v63  }
0x70: {  	_ =	swait.ge [sflag:s0], $0x2800  }
0x71: {  	[sflag:s0] =	ssyncset.done $0x0  }
0x72: {  	s14 =	simm.s32 $0xF0;
	[sflag:s0] =	ssyncadd.s32 $0xFFFFD800  }
0x73: {  	[tilespmem:s3], [sflag:$0x1] =	stream.indirect.gather [hbm4b:s8+s2], $0x80, s14, s2, $0xb8;
	[tilespmem:$0x1FEA0] =	vst v63  }
0x74: {  	_ =	swait.ge [sflag:s7], $0x2800  }
0x75: {  	[sflag:s7] =	ssyncset.done $0x0  }
0x76: {  	s15 =	simm.s32 $0x2760;
	[sflag:s7] =	ssyncadd.s32 $0xFFFFD800  }
0x77: {  	[spmem:s10] =	stream.indirect.scatter.add.f32 [tilespmem:s4], [sflag:$0x4], $0x80, s15, s2, $0xb8;
	[tilespmem:$0x1FEA0] =	vst v63  }
0x78: {  	_ =	swait.ge [sflag:s0], $0x2800  }
0x79: {  	[sflag:s0] =	ssyncset.done $0x0  }
0x7a: {  	s16 =	simm.s32 $0x140;
	[sflag:s0] =	ssyncadd.s32 $0xFFFFD800  }
0x7b: {  	[tilespmem:s4], [sflag:$0x2] =	stream.indirect.gather [hbm4b:s8+s2], $0x80, s16, s2, $0xb8;
	[tilespmem:$0x1FEA0] =	vst v63  }
0x7c: {  	_ =	swait.ge [sflag:s11], $0x2800  }
0x7d: {  	[sflag:s11] =	ssyncset.done $0x0  }
0x7e: {  	s17 =	simm.s32 $0x27B0;
	[sflag:s11] =	ssyncadd.s32 $0xFFFFD800  }
0x7f: {  	[spmem:s10] =	stream.indirect.scatter.add.f32 [tilespmem:s5], [sflag:$0x4], $0x80, s17, s2, $0xb8;
	[tilespmem:$0x1FEA0] =	vst v63  }
0x80: {  	_ =	swait.ge [sflag:s0], $0x2800  }
0x81: {  	s13 =	simm.s32 $0xF0;
	s14 =	simm.s32 $0x780;
	[sflag:s0] =	ssyncset.done $0x0  }
.LBB2_4:
0x82: {  	s15 =	sadd.s32 $0xA0, s13  }
0x83: {  	[sflag:s0] =	ssyncadd.s32 $0xFFFFD800;
	s16 =	smov.u32 s14;
	s17 =	sadd.s32 $0x3C0, s14  }
0x84: {  	[tilespmem:s5], [sflag:$0x3] =	stream.indirect.gather [hbm4b:s8+s2], $0x80, s15, s2, $0xb8;
	[tilespmem:$0x1FEA0] =	vst v63  }
0x85: {  	p1 =	sne.s32 s14, $0x9600;
	_ =	swait.ge [sflag:s6], $0x2800  }
0x86: {  	[sflag:s6] =	ssyncset.done $0x0  }
0x87: {  	s14 =	sadd.s32 $0x2710, s13;
	[sflag:s6] =	ssyncadd.s32 $0xFFFFD800  }
0x88: {  	[spmem:s10] =	stream.indirect.scatter.add.f32 [tilespmem:s3], [sflag:$0x4], $0x80, s14, s2, $0xb8;
	[tilespmem:$0x1FEA0] =	vst v63  }
0x89: {  	_ =	swait.ge [sflag:s0], $0x2800  }
0x8a: {  	[sflag:s0] =	ssyncset.done $0x0  }
0x8b: {  	s14 =	sadd.s32 $0xF0, s13;
	[sflag:s0] =	ssyncadd.s32 $0xFFFFD800  }
0x8c: {  	[tilespmem:s3], [sflag:$0x1] =	stream.indirect.gather [hbm4b:s8+s2], $0x80, s14, s2, $0xb8;
	[tilespmem:$0x1FEA0] =	vst v63  }
0x8d: {  	_ =	swait.ge [sflag:s7], $0x2800  }
0x8e: {  	[sflag:s7] =	ssyncset.done $0x0  }
0x8f: {  	s14 =	sadd.s32 $0x2760, s13;
	[sflag:s7] =	ssyncadd.s32 $0xFFFFD800  }
0x90: {  	[spmem:s10] =	stream.indirect.scatter.add.f32 [tilespmem:s4], [sflag:$0x4], $0x80, s14, s2, $0xb8;
	[tilespmem:$0x1FEA0] =	vst v63  }
0x91: {  	_ =	swait.ge [sflag:s0], $0x2800  }
0x92: {  	[sflag:s0] =	ssyncset.done $0x0  }
0x93: {  	s14 =	sadd.s32 $0x140, s13;
	[sflag:s0] =	ssyncadd.s32 $0xFFFFD800  }
0x94: {  	[tilespmem:s4], [sflag:$0x2] =	stream.indirect.gather [hbm4b:s8+s2], $0x80, s14, s2, $0xb8;
	[tilespmem:$0x1FEA0] =	vst v63  }
0x95: {  	_ =	swait.ge [sflag:s11], $0x2800  }
.Ltmp1:
0x96: {  	[sflag:s11] =	ssyncset.done $0x0;
	(pc) =	sbr.rel @p1 .LBB2_4-.Ltmp1, $4  }
0x97: {  	s13 =	sadd.s32 $0x27B0, s13;
	[sflag:s11] =	ssyncadd.s32 $0xFFFFD800  }
0x98: {  	[spmem:s10] =	stream.indirect.scatter.add.f32 [tilespmem:s5], [sflag:$0x4], $0x80, s13, s2, $0xb8;
	[tilespmem:$0x1FEA0] =	vst v63  }
0x99: {  	_ =	swait.ge [sflag:s0], $0x2800  }
0x9a: {  	s14 =	smov.u32 s17;
	s13 =	sshra.s32 s16, $0x2;
	[sflag:s0] =	ssyncset.done $0x0  }
0x9b: {  	s14 =	sadd.s32 $0xA0, s13;
	[sflag:s0] =	ssyncadd.s32 $0xFFFFD800  }
0x9c: {  	[tilespmem:s5], [sflag:$0x3] =	stream.indirect.gather [hbm4b:s8+s2], $0x80, s14, s2, $0xb8;
	[tilespmem:$0x1FEA0] =	vst v63  }
0x9d: {  	_ =	swait.ge [sflag:s6], $0x2800  }
0x9e: {  	[sflag:s6] =	ssyncset.done $0x0  }
0x9f: {  	s15 =	sadd.s32 $0x2710, s13;
	[sflag:s6] =	ssyncadd.s32 $0xFFFFD800  }
0xa0: {  	[spmem:s10] =	stream.indirect.scatter.add.f32 [tilespmem:s3], [sflag:$0x4], $0x80, s15, s2, $0xb8;
	[tilespmem:$0x1FEA0] =	vst v63  }
0xa1: {  	_ =	swait.ge [sflag:s0], $0x2800  }
0xa2: {  	[sflag:s0] =	ssyncset.done $0x0  }
0xa3: {  	s16 =	sadd.s32 $0xF0, s13;
	[sflag:s0] =	ssyncadd.s32 $0xFFFFD800  }
0xa4: {  	[tilespmem:s3], [sflag:$0x1] =	stream.indirect.gather [hbm4b:s8+s2], $0x80, s16, s2, $0xb8;
	[tilespmem:$0x1FEA0] =	vst v63  }
0xa5: {  	_ =	swait.ge [sflag:s7], $0x2800  }
0xa6: {  	[sflag:s7] =	ssyncset.done $0x0  }
0xa7: {  	s17 =	sadd.s32 $0x2760, s13;
	[sflag:s7] =	ssyncadd.s32 $0xFFFFD800  }
0xa8: {  	[spmem:s10] =	stream.indirect.scatter.add.f32 [tilespmem:s4], [sflag:$0x4], $0x80, s17, s2, $0xb8;
	[tilespmem:$0x1FEA0] =	vst v63  }
0xa9: {  	_ =	swait.ge [sflag:s0], $0x2800  }
0xaa: {  	[sflag:s0] =	ssyncset.done $0x0  }
0xab: {  	s15 =	sadd.s32 $0x140, s13;
	[sflag:s0] =	ssyncadd.s32 $0xFFFFD800  }
0xac: {  	[tilespmem:s4], [sflag:$0x2] =	stream.indirect.gather [hbm4b:s8+s2], $0x80, s15, s2, $0xb8;
	[tilespmem:$0x1FEA0] =	vst v63  }
0xad: {  	_ =	swait.ge [sflag:s11], $0x2800  }
0xae: {  	[sflag:s11] =	ssyncset.done $0x0  }
0xaf: {  	s16 =	sadd.s32 $0x27B0, s13;
	[sflag:s11] =	ssyncadd.s32 $0xFFFFD800  }
0xb0: {  	[spmem:s10] =	stream.indirect.scatter.add.f32 [tilespmem:s5], [sflag:$0x4], $0x80, s16, s2, $0xb8;
	[tilespmem:$0x1FEA0] =	vst v63  }
0xb1: {  	_ =	swait.ge [sflag:s0], $0x2800  }
0xb2: {  	[sflag:s0] =	ssyncset.done $0x0  }
0xb3: {  	[sflag:s0] =	ssyncadd.s32 $0xFFFFD800  }
0xb4: {  	_ =	swait.ge [sflag:s6], $0x2800  }
0xb5: {  	[sflag:s6] =	ssyncset.done $0x0  }
0xb6: {  	s17 =	simm.s32 $0x4D80;
	[sflag:s6] =	ssyncadd.s32 $0xFFFFD800  }
0xb7: {  	[spmem:s10] =	stream.indirect.scatter.add.f32 [tilespmem:s3], [sflag:$0x4], $0x80, s17, s2, $0xb8;
	[tilespmem:$0x1FEA0] =	vst v63  }
0xb8: {  	_ =	swait.ge [sflag:s0], $0x2800  }
0xb9: {  	[sflag:s0] =	ssyncset.done $0x0  }
0xba: {  	[sflag:s0] =	ssyncadd.s32 $0xFFFFD800  }
0xbb: {  	_ =	swait.ge [sflag:s7], $0x2800  }
0xbc: {  	[sflag:s7] =	ssyncset.done $0x0  }
0xbd: {  	s14 =	simm.s32 $0x4DD0;
	[sflag:s7] =	ssyncadd.s32 $0xFFFFD800  }
0xbe: {  	[spmem:s10] =	stream.indirect.scatter.add.f32 [tilespmem:s4], [sflag:$0x4], $0x80, s14, s2, $0xb8;
	[tilespmem:$0x1FEA0] =	vst v63  }
0xbf: {  	_ =	swait.ge [sflag:s0], $0x2800  }
0xc0: {  	[sflag:s0] =	ssyncset.done $0x0  }
0xc1: {  	s15 =	stileid.u32;
	[sflag:s0] =	ssyncadd.s32 $0xFFFFD800  }
0xc2: {  	s13 =	sshll.u32 s15, $0x6;
	[bflag:$0x0] =	sbarrier.arrive $0xFFFF  }
0xc3: {  	s13 =	sor.u32 $0x1C04, s13;
	s16 =	rddreg [dreg:$0x4]  }
0xc4: {  	[hbm:s16], [sflag:s13] =	dma.local [spmem:s24], $0x500  }
0xc5: {  	_ =	swait.ge [sflag:s0], $0x500  }
0xc6: {  	[sflag:s0] =	ssyncset.done $0x0  }
0xc7: {  	s17 =	rddreg [dreg:$0x5];
	[sflag:s0] =	ssyncadd.s32 $0xFFFFFB00  }
0xc8: {  	[hbm:s17], [sflag:s13] =	dma.local [spmem:s25], $0x500  }
0xc9: {  	_ =	swait.ge [sflag:s0], $0x500  }
0xca: {  	[sflag:s0] =	ssyncset.done $0x0  }
0xcb: {  	s15 =	rddreg [dreg:$0x6];
	[sflag:s0] =	ssyncadd.s32 $0xFFFFFB00  }
0xcc: {  	[hbm:s15], [sflag:s13] =	dma.local [spmem:s26], $0x500  }
0xcd: {  	_ =	swait.ge [sflag:s0], $0x500  }
0xce: {  	[sflag:s0] =	ssyncset.done $0x0  }
0xcf: {  	s16 =	rddreg [dreg:$0x7];
	[sflag:s0] =	ssyncadd.s32 $0xFFFFFB00  }
0xd0: {  	[hbm:s16], [sflag:s13] =	dma.local [spmem:s28], $0x500  }
0xd1: {  	_ =	swait.ge [sflag:s0], $0x500  }
0xd2: {  	[sflag:s0] =	ssyncset.done $0x0  }
0xd3: {  	s17 =	rddreg [dreg:$0x8];
	[sflag:s0] =	ssyncadd.s32 $0xFFFFFB00  }
0xd4: {  	[hbm:s17], [sflag:s13] =	dma.local [spmem:s29], $0x500  }
0xd5: {  	_ =	swait.ge [sflag:s0], $0x500  }
0xd6: {  	[sflag:s0] =	ssyncset.done $0x0  }
0xd7: {  	s15 =	rddreg [dreg:$0x9];
	[sflag:s0] =	ssyncadd.s32 $0xFFFFFB00  }
0xd8: {  	[hbm:s15], [sflag:s13] =	dma.local [spmem:s30], $0x500  }
0xd9: {  	_ =	swait.ge [sflag:s0], $0x500  }
0xda: {  	[sflag:s0] =	ssyncset.done $0x0  }
0xdb: {  	s16 =	rddreg [dreg:$0xa];
	[sflag:s0] =	ssyncadd.s32 $0xFFFFFB00  }
0xdc: {  	[hbm:s16], [sflag:s13] =	dma.local [spmem:s31], $0x500  }
0xdd: {  	_ =	swait.ge [sflag:s0], $0x500  }
0xde: {  	[sflag:s0] =	ssyncset.done $0x0  }
0xdf: {  	s14 =	rddreg [dreg:$0xb];
	[sflag:s0] =	ssyncadd.s32 $0xFFFFFB00  }
0xe0: {  	[hbm:s14], [sflag:s13] =	dma.local @!p0 [spmem:s9], $0x500  }
0xe1: {  	s13 =	simm.s32 @!p0 $0x4  }
0xe2: {  	_ =	swait.ge @!p0 [sflag:s13], $0x500  }
0xe3: {  	s12 =	sadd.s32 $0x1, s12;
	s17 =	rddreg [dreg:$0xe]  }
0xe4: {  	p1 =	sne.s32 s12, s17  }
.Ltmp2:
0xe5: {  	_ = 	snop;
	(pc) =	sbr.rel @p1 .LBB2_1-.Ltmp2, $3  }
0xe6: {  	[sflag:s13] =	ssyncset.done @!p0 $0x0  }
0xe7: {  	[sflag:s13] =	ssyncadd.s32 @!p0 $0xFFFFFB00  }
0xe8: {  	[bflag:$0x0] =	sbarrier.arrive $0xFFFF;
	_ =	sdelay $0x1  }
0xe9: {  	_ =	sfence.sel $0x180000  }
0xea: {  	[bflag:$0x0] =	sbarrier.arrive $0xFFFF  }
0xeb: {  	_ =	strace $0x9000004A  }
0xec: {  	s0 =	stileid.u32;
	[bflag:$0x2] =	sbarrier.arrive $0xFFFF  }
0xed: {  	p0 =	sne.s32 s0, $0x0;
	s0 =	rddreg [dreg:$0x3]  }
0xee: {  	s0 =	sadd.s32 @!p0 $0x100000, s0  }
0xef: {  	[sflag:s0] =	ssyncadd.tile.s32 @!p0 $0x1;
	_ =	shalt  }
.Lfunc_end2:
_tile_overlayer_lowered:
.L_overlay_start_2:
0xf0: {  	(tag) =	ssettag $0x2  }
0xf1: {  	s0 =	rddreg [dreg:$0x0];
	s2 =	stileid.u32  }
0xf2: {  	s1 =	rddreg [dreg:$0x1];
	p0 =	sne.s32 s2, $0x0  }
0xf3: {  	s3 =	rddreg [dreg:$0x2];
	[bflag:$0x3] =	sbarrier.arrive $0xFFFF;
	s2 =	simm.s32 @!p0 $0x1C04  }
0xf4: {  	[timem:s3], [sflag:s2] =	dma.local @!p0 [hbm:s0], s1  }
0xf5: {  	s0 =	simm.s32 @!p0 $0x4  }
0xf6: {  	_ =	swait.ge @!p0 [sflag:s0], s1  }
0xf7: {  	s1 =	ssub.s32 @!p0 $0x0, s1;
	[sflag:s0] =	ssyncset.done @!p0 $0x0  }
0xf8: {  	[sflag:s0] =	ssyncadd.s32 @!p0 s1  }
0xf9: {  	[bflag:$0x3] =	sbarrier.arrive $0xFFFF  }
0xfa: {  	_ =	shalt  }

</sc_bundles>
